<compile_context>
chip_gen: v7x
topology: tpu7x:2x2x1
jax: 0.10.2.dev20260603
libtpu: 0.0.44.dev20260713+nightly
codegen_flags: <defaults>
</compile_context>

<pallas_src>
import jax
import jax.numpy as jnp
from jax import lax
from jax.experimental import pallas as pl
from jax.experimental.pallas import tpu as pltpu
from jax.experimental.pallas import tpu_sc as plsc

N = 1048576
C = 19
SHIFT = 19
NBUCK = 4096
HISTW = 2 * NBUCK
NTILES = 32
PIX_PER_TILE = N // NTILES
HALF = N // 2
PIX_PER_TILE_H = HALF // NTILES
CHUNK = 8192
NCHUNK = PIX_PER_TILE_H // CHUNK
BLK_A = 8192
HB = HALF // BLK_A


def _keys_body(x_ref, t_ref, out_ref):
    x = x_ref[...]
    t = t_ref[...]
    m = jnp.max(x, axis=0, keepdims=True)
    lse = m + jnp.log(jnp.sum(jnp.exp(x - m), axis=0, keepdims=True))
    lp = x - lse
    ci = lax.broadcasted_iota(jnp.int32, x.shape, 0)
    fg = t == ci
    e = fg.astype(jnp.float32) - lp
    bits = lax.bitcast_convert_type(e, jnp.uint32)
    key = lax.shift_right_logical(bits, jnp.uint32(SHIFT)).astype(jnp.int32)
    out_ref[...] = key + jnp.where(fg, NBUCK, 0)


def _stage_a(x_t, t2, h):
    return pl.pallas_call(
        _keys_body,
        grid=(HB,),
        in_specs=[
            pl.BlockSpec((C, BLK_A), lambda i, h=h: (0, i + h * HB)),
            pl.BlockSpec((1, BLK_A), lambda i, h=h: (0, i + h * HB)),
        ],
        out_specs=pl.BlockSpec((C, BLK_A), lambda i: (0, i)),
        out_shape=jax.ShapeDtypeStruct((C, HALF), jnp.int32),
    )(x_t, t2)


def _hist_body(keys_hbm, out_hbm, idx0, idx1, hist_v, sem0, sem1):
    wid = lax.axis_index("s") * 2 + lax.axis_index("c")
    base = wid * PIX_PER_TILE_H
    ones = jnp.ones((16,), jnp.float32)
    zeros = jnp.zeros((16,), jnp.float32)
    idxs = (idx0, idx1)
    sems = (sem0, sem1)

    def per_class(c, carry):
        @plsc.parallel_loop(0, HISTW // 16, unroll=8)
        def _z(i):
            hist_v[i >> 3, pl.ds((i & 7) * 16, 16)] = zeros

        descs = [pltpu.async_copy(keys_hbm.at[c, pl.ds(base, CHUNK)],
                                  idxs[0], sems[0]), None]
        for k in range(NCHUNK):
            cur = k % 2
            descs[cur].wait()
            if k + 1 < NCHUNK:
                nxt = (k + 1) % 2
                descs[nxt] = pltpu.async_copy(
                    keys_hbm.at[c, pl.ds(base + (k + 1) * CHUNK, CHUNK)],
                    idxs[nxt], sems[nxt])
            buf = idxs[cur]

            @plsc.parallel_loop(0, CHUNK // 16, unroll=8)
            def _s(i):
                idx = buf[pl.ds(i * 16, 16)]
                plsc.addupdate_scatter(
                    hist_v, [lax.shift_right_logical(idx, 7), idx & 127], ones)

        pltpu.sync_copy(hist_v, out_hbm.at[c, wid])
        return carry

    lax.fori_loop(0, C, per_class, 0)


def _stage_b(keys):
    mesh = plsc.VectorSubcoreMesh(core_axis_name="c", subcore_axis_name="s")
    f = pl.kernel(
        _hist_body,
        out_type=jax.ShapeDtypeStruct((C, NTILES, HISTW // 128, 128),
                                      jnp.float32),
        mesh=mesh,
        scratch_types=[
            pltpu.VMEM((CHUNK,), jnp.int32),
            pltpu.VMEM((CHUNK,), jnp.int32),
            pltpu.VMEM((HISTW // 128, 128), jnp.float32),
            pltpu.SemaphoreType.DMA,
            pltpu.SemaphoreType.DMA,
        ],
        compiler_params=pltpu.CompilerParams(needs_layout_passes=False),
    )
    return f(keys)


def _cumsum_lanes(x):
    r, l = x.shape
    k = 1
    while k < l:
        x = x + jnp.concatenate(
            [jnp.zeros((r, k), x.dtype), x[:, :-k]], axis=1)
        k *= 2
    return x


def _cumsum_rows(x):
    r, l = x.shape
    k = 1
    while k < r:
        x = x + jnp.concatenate(
            [jnp.zeros((k, l), x.dtype), x[:-k, :]], axis=0)
        k *= 2
    return x


def _suffix_incl(x):
    pre = _cumsum_lanes(x)
    rows = pre[:, -1:]
    rowpre = _cumsum_rows(rows) - rows
    total = rowpre[-1:, :] + rows[-1:, :]
    p_excl = pre + rowpre - x
    return total - p_excl, total[0, 0]


def _loss_body(h1_ref, h2_ref, out_ref):
    c = pl.program_id(0)

    @pl.when(c == 0)
    def _():
        out_ref[...] = jnp.zeros((1, 1), jnp.float32)

    h = (jnp.sum(h1_ref[0].astype(jnp.float32), axis=0)
         + jnp.sum(h2_ref[0].astype(jnp.float32), axis=0))
    fgc = h[NBUCK // 128:]
    cnt = h[: NBUCK // 128] + fgc
    m_incl, _ = _suffix_incl(cnt)
    f_incl, g = _suffix_incl(fgc)

    r, l = cnt.shape
    b = (lax.broadcasted_iota(jnp.int32, (r, l), 0) * 128
         + lax.broadcasted_iota(jnp.int32, (r, l), 1))
    cap = 0x7F000000 >> SHIFT
    bhi = jnp.minimum(b + 1, cap) << SHIFT
    blo = jnp.minimum(jnp.maximum(b - 1, 0), cap) << SHIFT
    w = (lax.bitcast_convert_type(bhi, jnp.float32)
         - lax.bitcast_convert_type(blo, jnp.float32)) * 0.5

    jac = m_incl / (g + m_incl - f_incl)
    out_ref[...] += jnp.sum(w * jac).reshape(1, 1) * (1.0 / C)


def _stage_c(parts1, parts2):
    spec = pl.BlockSpec((1, NTILES, HISTW // 128, 128), lambda c: (c, 0, 0, 0))
    return pl.pallas_call(
        _loss_body,
        grid=(C,),
        in_specs=[spec, spec],
        out_specs=pl.BlockSpec((1, 1), lambda c: (0, 0)),
        out_shape=jax.ShapeDtypeStruct((1, 1), jnp.float32),
    )(parts1, parts2)


@jax.jit
def kernel(inputs, targets):
    t2 = targets.reshape(1, N)
    x_t = inputs.T
    keys1 = _stage_a(x_t, t2, 0)
    keys2 = _stage_a(x_t, t2, 1)
    parts1 = _stage_b(keys1)
    parts2 = _stage_b(keys2)
    loss = _stage_c(parts1, parts2)
    return loss[0, 0]

# --- scband reference (transcript-rebuilt; emitter-appended) ---
"""Pipeline reference for scband-lovasz-softmax-loss-12867722019592 (READ-ONLY COPY).

The authoritative reference and input builder live on the scoring server;
editing this copy changes nothing except your own understanding.
"""

import jax, jax.numpy as jnp
import numpy as np

N = 1048576
C = 19


def setup_inputs(seed: int = 0) -> dict:
    key = jax.random.key(seed)
    k1, k2 = jax.random.split(key)
    inputs = jax.random.normal(k1, (N, C), dtype=jnp.float32)
    targets = jax.random.randint(k2, (N,), 0, C, dtype=jnp.int32)
    return {"inputs": inputs, "targets": targets}


def reference(inputs, targets):
    log_probs = jax.nn.log_softmax(inputs, axis=1)

    def per_class(lp_c, c):
        fg = (targets == c).astype(jnp.float32)
        errors = jnp.abs(fg - lp_c)
        # descending sort by errors (torch.sort(..., descending=True))
        order = jnp.argsort(-errors)
        errors_sorted = errors[order]
        fg_sorted = fg[order]
        # lovasz_grad
        gts = jnp.sum(fg_sorted)
        intersection = gts - jnp.cumsum(fg_sorted)
        union = gts + jnp.cumsum(1.0 - fg_sorted)
        jaccard = 1.0 - intersection / union
        jaccard = jnp.concatenate([jaccard[:1], jaccard[1:] - jaccard[:-1]])
        return jnp.dot(errors_sorted, jaccard)

    losses = jax.vmap(per_class)(log_probs.T, jnp.arange(C))
    # reduction='mean'; with uniform random targets over 1M pixels all C classes
    # are present, so the torch "skip empty class" branch never triggers.
    return jnp.mean(losses)

if __name__ == "__main__":
    import jax
    _d = setup_inputs()
    print(jax.jit(kernel)(*tuple(_d.values())))

</pallas_src>

<mosaic_0001>
#map = affine_map<(d0, d1) -> (0, 0)>
#map1 = affine_map<(d0, d1) -> (0, 0, 0, 0)>
module attributes {stable_mosaic.version = 14 : i64} {
  func.func @_hist_body(%arg0: i32, %arg1: i32, %arg2: memref<19x524288xi32, #tpu.memory_space<hbm>>, %arg3: memref<19x32x64x128xf32, #tpu.memory_space<hbm>>, %arg4: memref<8192xi32, #tpu.memory_space<vmem>>, %arg5: memref<8192xi32, #tpu.memory_space<vmem>>, %arg6: memref<64x128xf32, #tpu.memory_space<vmem>>, %arg7: memref<!tpu.dma_semaphore, #tpu.memory_space<semaphore_mem>>, %arg8: memref<!tpu.dma_semaphore, #tpu.memory_space<semaphore_mem>>) attributes {dimension_semantics = [#tpu.dimension_semantics<core_parallel>, #tpu.dimension_semantics<subcore_parallel>], iteration_bounds = array<i64: 2, 16>, scalar_prefetch = 0 : i64, scratch_operands = 5 : i64, tpu.core_type = #tpu.core_type<sc_vector_subcore>, window_params = [{transform_indices = #map}, {transform_indices = #map1}]} {
    %mul3A = arith.constant 2 : i32
    %mul3A_0 = arith.muli %arg1, %mul3A : i32
    %add3A = arith.addi %mul3A_0, %arg0 : i32
    %mul3A_1 = arith.constant 16384 : i32
    %mul3A_2 = arith.muli %add3A, %mul3A_1 : i32
    %broadcast_in_dim3A = arith.constant 1.000000e+00 : f32
    %broadcast_in_dim3A_3 = vector.broadcast %broadcast_in_dim3A : f32 to vector<16xf32>
    %broadcast_in_dim3A_4 = arith.constant 0.000000e+00 : f32
    %broadcast_in_dim3A_5 = vector.broadcast %broadcast_in_dim3A_4 : f32 to vector<16xf32>
    %scan3A = arith.constant 0 : i32
    %scan3A_6 = arith.constant 0 : i32
    %scan3A_7 = arith.constant 19 : i32
    %scan3A_8 = arith.addi %scan3A_6, %scan3A_7 : i32
    %scan3A_9 = arith.constant 1 : i32
    scf.for %scan3A_11 = %scan3A_6 to %scan3A_8 step %scan3A_9  : i32 {
      %parallel_loop3A = arith.constant 0 : i32
      %parallel_loop3A_12 = arith.constant 512 : i32
      %parallel_loop3A_13 = arith.constant 1 : i32
      scf.for %parallel_loop3A_36 = %parallel_loop3A to %parallel_loop3A_12 step %parallel_loop3A_13  : i32 {
        %parallel_loop3A_37 = arith.constant 3 : i32
        %parallel_loop3A_38 = arith.shrsi %parallel_loop3A_36, %parallel_loop3A_37 : i32
        %parallel_loop3A_39 = arith.constant 7 : i32
        %parallel_loop3A_40 = arith.andi %parallel_loop3A_36, %parallel_loop3A_39 : i32
        %parallel_loop3A_41 = arith.constant 16 : i32
        %parallel_loop3A_42 = arith.muli %parallel_loop3A_40, %parallel_loop3A_41 : i32
        %parallel_loop3A_43 = arith.index_cast %parallel_loop3A_38 : i32 to index
        %parallel_loop3A_44 = arith.index_cast %parallel_loop3A_42 : i32 to index
        %parallel_loop3A_45 = tpu.vector_load %arg6[%parallel_loop3A_43, %parallel_loop3A_44] {strides = array<i32>} : memref<64x128xf32, #tpu.memory_space<vmem>>, vector<16xf32>,
        tpu.vector_store %arg6[%parallel_loop3A_43, %parallel_loop3A_44], %broadcast_in_dim3A_5 {strides = array<i32>} : memref<64x128xf32, #tpu.memory_space<vmem>>, vector<16xf32>,
      } {sc.loop_unroll_factor = 8 : i64, sc.parallel_access}
      %dma_start3A = tpu.memref_slice %arg2[%scan3A_11, %mul3A_2] : memref<19x524288xi32, #tpu.memory_space<hbm>> -> memref<1x8192xi32, #tpu.memory_space<hbm>>
      %dma_start3A_14 = tpu.memref_squeeze %dma_start3A : memref<1x8192xi32, #tpu.memory_space<hbm>> -> memref<8192xi32, #tpu.memory_space<hbm>>
      %dma_start3A_15 = tpu.memref_slice %arg2[%scan3A_11, %mul3A_2] : memref<19x524288xi32, #tpu.memory_space<hbm>> -> memref<1x8192xi32, #tpu.memory_space<hbm>>
      %dma_start3A_16 = tpu.memref_squeeze %dma_start3A_15 : memref<1x8192xi32, #tpu.memory_space<hbm>> -> memref<8192xi32, #tpu.memory_space<hbm>>
      tpu.enqueue_dma source(%dma_start3A_16 : memref<8192xi32, #tpu.memory_space<hbm>>) target(%arg4 : memref<8192xi32, #tpu.memory_space<vmem>>) target_semaphore(%arg7 : memref<!tpu.dma_semaphore, #tpu.memory_space<semaphore_mem>>)
      %dma_wait3A = tpu.memref_slice %arg2[%scan3A_11, %mul3A_2] : memref<19x524288xi32, #tpu.memory_space<hbm>> -> memref<1x8192xi32, #tpu.memory_space<hbm>>
      %dma_wait3A_17 = tpu.memref_squeeze %dma_wait3A : memref<1x8192xi32, #tpu.memory_space<hbm>> -> memref<8192xi32, #tpu.memory_space<hbm>>
      %dma_wait3A_18 = tpu.memref_slice %arg2[%scan3A_11, %mul3A_2] : memref<19x524288xi32, #tpu.memory_space<hbm>> -> memref<1x8192xi32, #tpu.memory_space<hbm>>
      %dma_wait3A_19 = tpu.memref_squeeze %dma_wait3A_18 : memref<1x8192xi32, #tpu.memory_space<hbm>> -> memref<8192xi32, #tpu.memory_space<hbm>>
      tpu.wait_dma2 semaphore(%arg7 : memref<!tpu.dma_semaphore, #tpu.memory_space<semaphore_mem>>) src(%dma_wait3A_19 : memref<8192xi32, #tpu.memory_space<hbm>>) dst(%arg4 : memref<8192xi32, #tpu.memory_space<vmem>>)
      %add3A_20 = arith.constant 8192 : i32
      %add3A_21 = arith.addi %mul3A_2, %add3A_20 : i32
      %dma_start3A_22 = tpu.memref_slice %arg2[%scan3A_11, %add3A_21] : memref<19x524288xi32, #tpu.memory_space<hbm>> -> memref<1x8192xi32, #tpu.memory_space<hbm>>
      %dma_start3A_23 = tpu.memref_squeeze %dma_start3A_22 : memref<1x8192xi32, #tpu.memory_space<hbm>> -> memref<8192xi32, #tpu.memory_space<hbm>>
      %dma_start3A_24 = tpu.memref_slice %arg2[%scan3A_11, %add3A_21] : memref<19x524288xi32, #tpu.memory_space<hbm>> -> memref<1x8192xi32, #tpu.memory_space<hbm>>
      %dma_start3A_25 = tpu.memref_squeeze %dma_start3A_24 : memref<1x8192xi32, #tpu.memory_space<hbm>> -> memref<8192xi32, #tpu.memory_space<hbm>>
      tpu.enqueue_dma source(%dma_start3A_25 : memref<8192xi32, #tpu.memory_space<hbm>>) target(%arg5 : memref<8192xi32, #tpu.memory_space<vmem>>) target_semaphore(%arg8 : memref<!tpu.dma_semaphore, #tpu.memory_space<semaphore_mem>>)
      %parallel_loop3A_26 = arith.constant 0 : i32
      %parallel_loop3A_27 = arith.constant 512 : i32
      %parallel_loop3A_28 = arith.constant 1 : i32
      scf.for %parallel_loop3A_36 = %parallel_loop3A_26 to %parallel_loop3A_27 step %parallel_loop3A_28  : i32 {
        %parallel_loop3A_37 = arith.constant 16 : i32
        %parallel_loop3A_38 = arith.muli %parallel_loop3A_36, %parallel_loop3A_37 : i32
        %parallel_loop3A_39 = arith.index_cast %parallel_loop3A_38 : i32 to index
        %parallel_loop3A_40 = tpu.vector_load %arg4[%parallel_loop3A_39] {strides = array<i32>} : memref<8192xi32, #tpu.memory_space<vmem>>, vector<16xi32>,
        %parallel_loop3A_41 = arith.constant 7 : i32
        %parallel_loop3A_42 = vector.broadcast %parallel_loop3A_41 : i32 to vector<16xi32>
        %parallel_loop3A_43 = arith.shrui %parallel_loop3A_40, %parallel_loop3A_42 : vector<16xi32>
        %parallel_loop3A_44 = arith.constant 127 : i32
        %parallel_loop3A_45 = vector.broadcast %parallel_loop3A_44 : i32 to vector<16xi32>
        %parallel_loop3A_46 = arith.andi %parallel_loop3A_40, %parallel_loop3A_45 : vector<16xi32>
        tpu.vector_store_idx %arg6[%parallel_loop3A_43, %parallel_loop3A_46], %broadcast_in_dim3A_3 {add = true} : memref<64x128xf32, #tpu.memory_space<vmem>>[vector<16xi32>, vector<16xi32>], vector<16xf32>,
      } {sc.loop_unroll_factor = 8 : i64, sc.parallel_access}
      %dma_wait3A_29 = tpu.memref_slice %arg2[%scan3A_11, %add3A_21] : memref<19x524288xi32, #tpu.memory_space<hbm>> -> memref<1x8192xi32, #tpu.memory_space<hbm>>
      %dma_wait3A_30 = tpu.memref_squeeze %dma_wait3A_29 : memref<1x8192xi32, #tpu.memory_space<hbm>> -> memref<8192xi32, #tpu.memory_space<hbm>>
      %dma_wait3A_31 = tpu.memref_slice %arg2[%scan3A_11, %add3A_21] : memref<19x524288xi32, #tpu.memory_space<hbm>> -> memref<1x8192xi32, #tpu.memory_space<hbm>>
      %dma_wait3A_32 = tpu.memref_squeeze %dma_wait3A_31 : memref<1x8192xi32, #tpu.memory_space<hbm>> -> memref<8192xi32, #tpu.memory_space<hbm>>
      tpu.wait_dma2 semaphore(%arg8 : memref<!tpu.dma_semaphore, #tpu.memory_space<semaphore_mem>>) src(%dma_wait3A_32 : memref<8192xi32, #tpu.memory_space<hbm>>) dst(%arg5 : memref<8192xi32, #tpu.memory_space<vmem>>)
      %parallel_loop3A_33 = arith.constant 0 : i32
      %parallel_loop3A_34 = arith.constant 512 : i32
      %parallel_loop3A_35 = arith.constant 1 : i32
      scf.for %parallel_loop3A_36 = %parallel_loop3A_33 to %parallel_loop3A_34 step %parallel_loop3A_35  : i32 {
        %parallel_loop3A_37 = arith.constant 16 : i32
        %parallel_loop3A_38 = arith.muli %parallel_loop3A_36, %parallel_loop3A_37 : i32
        %parallel_loop3A_39 = arith.index_cast %parallel_loop3A_38 : i32 to index
        %parallel_loop3A_40 = tpu.vector_load %arg5[%parallel_loop3A_39] {strides = array<i32>} : memref<8192xi32, #tpu.memory_space<vmem>>, vector<16xi32>,
        %parallel_loop3A_41 = arith.constant 7 : i32
        %parallel_loop3A_42 = vector.broadcast %parallel_loop3A_41 : i32 to vector<16xi32>
        %parallel_loop3A_43 = arith.shrui %parallel_loop3A_40, %parallel_loop3A_42 : vector<16xi32>
        %parallel_loop3A_44 = arith.constant 127 : i32
        %parallel_loop3A_45 = vector.broadcast %parallel_loop3A_44 : i32 to vector<16xi32>
        %parallel_loop3A_46 = arith.andi %parallel_loop3A_40, %parallel_loop3A_45 : vector<16xi32>
        tpu.vector_store_idx %arg6[%parallel_loop3A_43, %parallel_loop3A_46], %broadcast_in_dim3A_3 {add = true} : memref<64x128xf32, #tpu.memory_space<vmem>>[vector<16xi32>, vector<16xi32>], vector<16xf32>,
      } {sc.loop_unroll_factor = 8 : i64, sc.parallel_access}
      "tpu.region"() ({
        %run_scoped3A = tpu.sem_alloc : memref<!tpu.dma_semaphore, #tpu.memory_space<semaphore_mem>>
        %dma_start3A_36 = arith.constant 0 : i32
        %dma_start3A_37 = arith.constant 0 : i32
        %dma_start3A_38 = tpu.memref_slice %arg3[%scan3A_11, %add3A, %dma_start3A_36, %dma_start3A_37] : memref<19x32x64x128xf32, #tpu.memory_space<hbm>> -> memref<1x1x64x128xf32, #tpu.memory_space<hbm>>
        %dma_start3A_39 = tpu.memref_squeeze %dma_start3A_38 : memref<1x1x64x128xf32, #tpu.memory_space<hbm>> -> memref<64x128xf32, #tpu.memory_space<hbm>>
        %dma_start3A_40 = arith.constant 0 : i32
        %dma_start3A_41 = arith.constant 0 : i32
        %dma_start3A_42 = tpu.memref_slice %arg3[%scan3A_11, %add3A, %dma_start3A_40, %dma_start3A_41] : memref<19x32x64x128xf32, #tpu.memory_space<hbm>> -> memref<1x1x64x128xf32, #tpu.memory_space<hbm>>
        %dma_start3A_43 = tpu.memref_squeeze %dma_start3A_42 : memref<1x1x64x128xf32, #tpu.memory_space<hbm>> -> memref<64x128xf32, #tpu.memory_space<hbm>>
        tpu.enqueue_dma source(%arg6 : memref<64x128xf32, #tpu.memory_space<vmem>>) target(%dma_start3A_43 : memref<64x128xf32, #tpu.memory_space<hbm>>) target_semaphore(%run_scoped3A : memref<!tpu.dma_semaphore, #tpu.memory_space<semaphore_mem>>)
        %dma_wait3A_44 = arith.constant 0 : i32
        %dma_wait3A_45 = arith.constant 0 : i32
        %dma_wait3A_46 = tpu.memref_slice %arg3[%scan3A_11, %add3A, %dma_wait3A_44, %dma_wait3A_45] : memref<19x32x64x128xf32, #tpu.memory_space<hbm>> -> memref<1x1x64x128xf32, #tpu.memory_space<hbm>>
        %dma_wait3A_47 = tpu.memref_squeeze %dma_wait3A_46 : memref<1x1x64x128xf32, #tpu.memory_space<hbm>> -> memref<64x128xf32, #tpu.memory_space<hbm>>
        %dma_wait3A_48 = arith.constant 0 : i32
        %dma_wait3A_49 = arith.constant 0 : i32
        %dma_wait3A_50 = tpu.memref_slice %arg3[%scan3A_11, %add3A, %dma_wait3A_48, %dma_wait3A_49] : memref<19x32x64x128xf32, #tpu.memory_space<hbm>> -> memref<1x1x64x128xf32, #tpu.memory_space<hbm>>
        %dma_wait3A_51 = tpu.memref_squeeze %dma_wait3A_50 : memref<1x1x64x128xf32, #tpu.memory_space<hbm>> -> memref<64x128xf32, #tpu.memory_space<hbm>>
        tpu.wait_dma2 semaphore(%run_scoped3A : memref<!tpu.dma_semaphore, #tpu.memory_space<semaphore_mem>>) src(%arg6 : memref<64x128xf32, #tpu.memory_space<vmem>>) dst(%dma_wait3A_51 : memref<64x128xf32, #tpu.memory_space<hbm>>)
        tpu.yield
      }) : () -> ()
    }
    %scan3A_10 = arith.constant 19 : i32
    return
  }
}

#map = affine_map<(d0, d1) -> (0, 0)>
#map1 = affine_map<(d0, d1) -> (0, 0, 0, 0)>
module attributes {stable_mosaic.version = 14 : i64} {
  func.func @_hist_body(%arg0: i32, %arg1: i32, %arg2: memref<19x524288xi32, #tpu.memory_space<hbm>>, %arg3: memref<19x32x64x128xf32, #tpu.memory_space<hbm>>, %arg4: memref<8192xi32, #tpu.memory_space<vmem>>, %arg5: memref<8192xi32, #tpu.memory_space<vmem>>, %arg6: memref<64x128xf32, #tpu.memory_space<vmem>>, %arg7: memref<!tpu.dma_semaphore, #tpu.memory_space<semaphore_mem>>, %arg8: memref<!tpu.dma_semaphore, #tpu.memory_space<semaphore_mem>>) attributes {dimension_semantics = [#tpu.dimension_semantics<core_parallel>, #tpu.dimension_semantics<subcore_parallel>], iteration_bounds = array<i64: 2, 16>, scalar_prefetch = 0 : i64, scratch_operands = 5 : i64, tpu.core_type = #tpu.core_type<sc_vector_subcore>, window_params = [{transform_indices = #map}, {transform_indices = #map1}]} {
    %mul3A = arith.constant 2 : i32
    %mul3A_0 = arith.muli %arg1, %mul3A : i32
    %add3A = arith.addi %mul3A_0, %arg0 : i32
    %mul3A_1 = arith.constant 16384 : i32
    %mul3A_2 = arith.muli %add3A, %mul3A_1 : i32
    %broadcast_in_dim3A = arith.constant 1.000000e+00 : f32
    %broadcast_in_dim3A_3 = vector.broadcast %broadcast_in_dim3A : f32 to vector<16xf32>
    %broadcast_in_dim3A_4 = arith.constant 0.000000e+00 : f32
    %broadcast_in_dim3A_5 = vector.broadcast %broadcast_in_dim3A_4 : f32 to vector<16xf32>
    %scan3A = arith.constant 0 : i32
    %scan3A_6 = arith.constant 0 : i32
    %scan3A_7 = arith.constant 19 : i32
    %scan3A_8 = arith.addi %scan3A_6, %scan3A_7 : i32
    %scan3A_9 = arith.constant 1 : i32
    scf.for %scan3A_11 = %scan3A_6 to %scan3A_8 step %scan3A_9  : i32 {
      %parallel_loop3A = arith.constant 0 : i32
      %parallel_loop3A_12 = arith.constant 512 : i32
      %parallel_loop3A_13 = arith.constant 1 : i32
      scf.for %parallel_loop3A_36 = %parallel_loop3A to %parallel_loop3A_12 step %parallel_loop3A_13  : i32 {
        %parallel_loop3A_37 = arith.constant 3 : i32
        %parallel_loop3A_38 = arith.shrsi %parallel_loop3A_36, %parallel_loop3A_37 : i32
        %parallel_loop3A_39 = arith.constant 7 : i32
        %parallel_loop3A_40 = arith.andi %parallel_loop3A_36, %parallel_loop3A_39 : i32
        %parallel_loop3A_41 = arith.constant 16 : i32
        %parallel_loop3A_42 = arith.muli %parallel_loop3A_40, %parallel_loop3A_41 : i32
        %parallel_loop3A_43 = arith.index_cast %parallel_loop3A_38 : i32 to index
        %parallel_loop3A_44 = arith.index_cast %parallel_loop3A_42 : i32 to index
        %parallel_loop3A_45 = tpu.vector_load %arg6[%parallel_loop3A_43, %parallel_loop3A_44] {strides = array<i32>} : memref<64x128xf32, #tpu.memory_space<vmem>>, vector<16xf32>,
        tpu.vector_store %arg6[%parallel_loop3A_43, %parallel_loop3A_44], %broadcast_in_dim3A_5 {strides = array<i32>} : memref<64x128xf32, #tpu.memory_space<vmem>>, vector<16xf32>,
      } {sc.loop_unroll_factor = 8 : i64, sc.parallel_access}
      %dma_start3A = tpu.memref_slice %arg2[%scan3A_11, %mul3A_2] : memref<19x524288xi32, #tpu.memory_space<hbm>> -> memref<1x8192xi32, #tpu.memory_space<hbm>>
      %dma_start3A_14 = tpu.memref_squeeze %dma_start3A : memref<1x8192xi32, #tpu.memory_space<hbm>> -> memref<8192xi32, #tpu.memory_space<hbm>>
      %dma_start3A_15 = tpu.memref_slice %arg2[%scan3A_11, %mul3A_2] : memref<19x524288xi32, #tpu.memory_space<hbm>> -> memref<1x8192xi32, #tpu.memory_space<hbm>>
      %dma_start3A_16 = tpu.memref_squeeze %dma_start3A_15 : memref<1x8192xi32, #tpu.memory_space<hbm>> -> memref<8192xi32, #tpu.memory_space<hbm>>
      tpu.enqueue_dma source(%dma_start3A_16 : memref<8192xi32, #tpu.memory_space<hbm>>) target(%arg4 : memref<8192xi32, #tpu.memory_space<vmem>>) target_semaphore(%arg7 : memref<!tpu.dma_semaphore, #tpu.memory_space<semaphore_mem>>)
      %dma_wait3A = tpu.memref_slice %arg2[%scan3A_11, %mul3A_2] : memref<19x524288xi32, #tpu.memory_space<hbm>> -> memref<1x8192xi32, #tpu.memory_space<hbm>>
      %dma_wait3A_17 = tpu.memref_squeeze %dma_wait3A : memref<1x8192xi32, #tpu.memory_space<hbm>> -> memref<8192xi32, #tpu.memory_space<hbm>>
      %dma_wait3A_18 = tpu.memref_slice %arg2[%scan3A_11, %mul3A_2] : memref<19x524288xi32, #tpu.memory_space<hbm>> -> memref<1x8192xi32, #tpu.memory_space<hbm>>
      %dma_wait3A_19 = tpu.memref_squeeze %dma_wait3A_18 : memref<1x8192xi32, #tpu.memory_space<hbm>> -> memref<8192xi32, #tpu.memory_space<hbm>>
      tpu.wait_dma2 semaphore(%arg7 : memref<!tpu.dma_semaphore, #tpu.memory_space<semaphore_mem>>) src(%dma_wait3A_19 : memref<8192xi32, #tpu.memory_space<hbm>>) dst(%arg4 : memref<8192xi32, #tpu.memory_space<vmem>>)
      %add3A_20 = arith.constant 8192 : i32
      %add3A_21 = arith.addi %mul3A_2, %add3A_20 : i32
      %dma_start3A_22 = tpu.memref_slice %arg2[%scan3A_11, %add3A_21] : memref<19x524288xi32, #tpu.memory_space<hbm>> -> memref<1x8192xi32, #tpu.memory_space<hbm>>
      %dma_start3A_23 = tpu.memref_squeeze %dma_start3A_22 : memref<1x8192xi32, #tpu.memory_space<hbm>> -> memref<8192xi32, #tpu.memory_space<hbm>>
      %dma_start3A_24 = tpu.memref_slice %arg2[%scan3A_11, %add3A_21] : memref<19x524288xi32, #tpu.memory_space<hbm>> -> memref<1x8192xi32, #tpu.memory_space<hbm>>
      %dma_start3A_25 = tpu.memref_squeeze %dma_start3A_24 : memref<1x8192xi32, #tpu.memory_space<hbm>> -> memref<8192xi32, #tpu.memory_space<hbm>>
      tpu.enqueue_dma source(%dma_start3A_25 : memref<8192xi32, #tpu.memory_space<hbm>>) target(%arg5 : memref<8192xi32, #tpu.memory_space<vmem>>) target_semaphore(%arg8 : memref<!tpu.dma_semaphore, #tpu.memory_space<semaphore_mem>>)
      %parallel_loop3A_26 = arith.constant 0 : i32
      %parallel_loop3A_27 = arith.constant 512 : i32
      %parallel_loop3A_28 = arith.constant 1 : i32
      scf.for %parallel_loop3A_36 = %parallel_loop3A_26 to %parallel_loop3A_27 step %parallel_loop3A_28  : i32 {
        %parallel_loop3A_37 = arith.constant 16 : i32
        %parallel_loop3A_38 = arith.muli %parallel_loop3A_36, %parallel_loop3A_37 : i32
        %parallel_loop3A_39 = arith.index_cast %parallel_loop3A_38 : i32 to index
        %parallel_loop3A_40 = tpu.vector_load %arg4[%parallel_loop3A_39] {strides = array<i32>} : memref<8192xi32, #tpu.memory_space<vmem>>, vector<16xi32>,
        %parallel_loop3A_41 = arith.constant 7 : i32
        %parallel_loop3A_42 = vector.broadcast %parallel_loop3A_41 : i32 to vector<16xi32>
        %parallel_loop3A_43 = arith.shrui %parallel_loop3A_40, %parallel_loop3A_42 : vector<16xi32>
        %parallel_loop3A_44 = arith.constant 127 : i32
        %parallel_loop3A_45 = vector.broadcast %parallel_loop3A_44 : i32 to vector<16xi32>
        %parallel_loop3A_46 = arith.andi %parallel_loop3A_40, %parallel_loop3A_45 : vector<16xi32>
        tpu.vector_store_idx %arg6[%parallel_loop3A_43, %parallel_loop3A_46], %broadcast_in_dim3A_3 {add = true} : memref<64x128xf32, #tpu.memory_space<vmem>>[vector<16xi32>, vector<16xi32>], vector<16xf32>,
      } {sc.loop_unroll_factor = 8 : i64, sc.parallel_access}
      %dma_wait3A_29 = tpu.memref_slice %arg2[%scan3A_11, %add3A_21] : memref<19x524288xi32, #tpu.memory_space<hbm>> -> memref<1x8192xi32, #tpu.memory_space<hbm>>
      %dma_wait3A_30 = tpu.memref_squeeze %dma_wait3A_29 : memref<1x8192xi32, #tpu.memory_space<hbm>> -> memref<8192xi32, #tpu.memory_space<hbm>>
      %dma_wait3A_31 = tpu.memref_slice %arg2[%scan3A_11, %add3A_21] : memref<19x524288xi32, #tpu.memory_space<hbm>> -> memref<1x8192xi32, #tpu.memory_space<hbm>>
      %dma_wait3A_32 = tpu.memref_squeeze %dma_wait3A_31 : memref<1x8192xi32, #tpu.memory_space<hbm>> -> memref<8192xi32, #tpu.memory_space<hbm>>
      tpu.wait_dma2 semaphore(%arg8 : memref<!tpu.dma_semaphore, #tpu.memory_space<semaphore_mem>>) src(%dma_wait3A_32 : memref<8192xi32, #tpu.memory_space<hbm>>) dst(%arg5 : memref<8192xi32, #tpu.memory_space<vmem>>)
      %parallel_loop3A_33 = arith.constant 0 : i32
      %parallel_loop3A_34 = arith.constant 512 : i32
      %parallel_loop3A_35 = arith.constant 1 : i32
      scf.for %parallel_loop3A_36 = %parallel_loop3A_33 to %parallel_loop3A_34 step %parallel_loop3A_35  : i32 {
        %parallel_loop3A_37 = arith.constant 16 : i32
        %parallel_loop3A_38 = arith.muli %parallel_loop3A_36, %parallel_loop3A_37 : i32
        %parallel_loop3A_39 = arith.index_cast %parallel_loop3A_38 : i32 to index
        %parallel_loop3A_40 = tpu.vector_load %arg5[%parallel_loop3A_39] {strides = array<i32>} : memref<8192xi32, #tpu.memory_space<vmem>>, vector<16xi32>,
        %parallel_loop3A_41 = arith.constant 7 : i32
        %parallel_loop3A_42 = vector.broadcast %parallel_loop3A_41 : i32 to vector<16xi32>
        %parallel_loop3A_43 = arith.shrui %parallel_loop3A_40, %parallel_loop3A_42 : vector<16xi32>
        %parallel_loop3A_44 = arith.constant 127 : i32
        %parallel_loop3A_45 = vector.broadcast %parallel_loop3A_44 : i32 to vector<16xi32>
        %parallel_loop3A_46 = arith.andi %parallel_loop3A_40, %parallel_loop3A_45 : vector<16xi32>
        tpu.vector_store_idx %arg6[%parallel_loop3A_43, %parallel_loop3A_46], %broadcast_in_dim3A_3 {add = true} : memref<64x128xf32, #tpu.memory_space<vmem>>[vector<16xi32>, vector<16xi32>], vector<16xf32>,
      } {sc.loop_unroll_factor = 8 : i64, sc.parallel_access}
      "tpu.region"() ({
        %run_scoped3A = tpu.sem_alloc : memref<!tpu.dma_semaphore, #tpu.memory_space<semaphore_mem>>
        %dma_start3A_36 = arith.constant 0 : i32
        %dma_start3A_37 = arith.constant 0 : i32
        %dma_start3A_38 = tpu.memref_slice %arg3[%scan3A_11, %add3A, %dma_start3A_36, %dma_start3A_37] : memref<19x32x64x128xf32, #tpu.memory_space<hbm>> -> memref<1x1x64x128xf32, #tpu.memory_space<hbm>>
        %dma_start3A_39 = tpu.memref_squeeze %dma_start3A_38 : memref<1x1x64x128xf32, #tpu.memory_space<hbm>> -> memref<64x128xf32, #tpu.memory_space<hbm>>
        %dma_start3A_40 = arith.constant 0 : i32
        %dma_start3A_41 = arith.constant 0 : i32
        %dma_start3A_42 = tpu.memref_slice %arg3[%scan3A_11, %add3A, %dma_start3A_40, %dma_start3A_41] : memref<19x32x64x128xf32, #tpu.memory_space<hbm>> -> memref<1x1x64x128xf32, #tpu.memory_space<hbm>>
        %dma_start3A_43 = tpu.memref_squeeze %dma_start3A_42 : memref<1x1x64x128xf32, #tpu.memory_space<hbm>> -> memref<64x128xf32, #tpu.memory_space<hbm>>
        tpu.enqueue_dma source(%arg6 : memref<64x128xf32, #tpu.memory_space<vmem>>) target(%dma_start3A_43 : memref<64x128xf32, #tpu.memory_space<hbm>>) target_semaphore(%run_scoped3A : memref<!tpu.dma_semaphore, #tpu.memory_space<semaphore_mem>>)
        %dma_wait3A_44 = arith.constant 0 : i32
        %dma_wait3A_45 = arith.constant 0 : i32
        %dma_wait3A_46 = tpu.memref_slice %arg3[%scan3A_11, %add3A, %dma_wait3A_44, %dma_wait3A_45] : memref<19x32x64x128xf32, #tpu.memory_space<hbm>> -> memref<1x1x64x128xf32, #tpu.memory_space<hbm>>
        %dma_wait3A_47 = tpu.memref_squeeze %dma_wait3A_46 : memref<1x1x64x128xf32, #tpu.memory_space<hbm>> -> memref<64x128xf32, #tpu.memory_space<hbm>>
        %dma_wait3A_48 = arith.constant 0 : i32
        %dma_wait3A_49 = arith.constant 0 : i32
        %dma_wait3A_50 = tpu.memref_slice %arg3[%scan3A_11, %add3A, %dma_wait3A_48, %dma_wait3A_49] : memref<19x32x64x128xf32, #tpu.memory_space<hbm>> -> memref<1x1x64x128xf32, #tpu.memory_space<hbm>>
        %dma_wait3A_51 = tpu.memref_squeeze %dma_wait3A_50 : memref<1x1x64x128xf32, #tpu.memory_space<hbm>> -> memref<64x128xf32, #tpu.memory_space<hbm>>
        tpu.wait_dma2 semaphore(%run_scoped3A : memref<!tpu.dma_semaphore, #tpu.memory_space<semaphore_mem>>) src(%arg6 : memref<64x128xf32, #tpu.memory_space<vmem>>) dst(%dma_wait3A_51 : memref<64x128xf32, #tpu.memory_space<hbm>>)
        tpu.yield
      }) : () -> ()
    }
    %scan3A_10 = arith.constant 19 : i32
    return
  }
}

module attributes {stable_mosaic.version = 14 : i64} {
  func.func @_keys_body(%arg0: i32, %arg1: memref<19x8192xf32, #tpu.memory_space<vmem>>, %arg2: memref<1x8192xi32, #tpu.memory_space<vmem>>, %arg3: memref<19x8192xi32, #tpu.memory_space<vmem>>) attributes {dimension_semantics = [#tpu.dimension_semantics<arbitrary>], iteration_bounds = array<i64: 64>, scalar_prefetch = 0 : i64, scratch_operands = 0 : i64, tpu.core_type = #tpu.core_type<tc>, window_params = [{transform_indices = @transform_0, window_bounds = array<i64: 19, 8192>}, {transform_indices = @transform_1, window_bounds = array<i64: 1, 8192>}, {transform_indices = @transform_2, window_bounds = array<i64: 19, 8192>}]} {
    %get3A = arith.constant 0 : index
    %get3A_0 = arith.constant 0 : index
    %get3A_1 = vector.load %arg1[%get3A, %get3A_0] : memref<19x8192xf32, #tpu.memory_space<vmem>>, vector<19x8192xf32>
    %get3A_2 = arith.constant 0 : index
    %get3A_3 = arith.constant 0 : index
    %get3A_4 = vector.load %arg2[%get3A_2, %get3A_3] : memref<1x8192xi32, #tpu.memory_space<vmem>>, vector<1x8192xi32>
    %reduce_max3A = arith.constant dense<0xFF800000> : vector<8192xf32>
    %reduce_max3A_5 = vector.multi_reduction <maximumf>, %get3A_1, %reduce_max3A [0] : vector<19x8192xf32> to vector<8192xf32>
    %broadcast_in_dim3A = vector.shape_cast %reduce_max3A_5 : vector<8192xf32> to vector<1x8192xf32>
    %sub3A = vector.broadcast %broadcast_in_dim3A : vector<1x8192xf32> to vector<19x8192xf32>
    %sub3A_6 = arith.subf %get3A_1, %sub3A : vector<19x8192xf32>
    %exp3A = math.exp %sub3A_6 : vector<19x8192xf32>
    %reduce_sum3A = arith.constant dense<0.000000e+00> : vector<8192xf32>
    %reduce_sum3A_7 = vector.multi_reduction <add>, %exp3A, %reduce_sum3A [0] : vector<19x8192xf32> to vector<8192xf32>
    %broadcast_in_dim3A_8 = vector.shape_cast %reduce_sum3A_7 : vector<8192xf32> to vector<1x8192xf32>
    %log3A = math.log %broadcast_in_dim3A_8 : vector<1x8192xf32>
    %add3A = arith.addf %broadcast_in_dim3A, %log3A : vector<1x8192xf32>
    %sub3A_9 = vector.broadcast %add3A : vector<1x8192xf32> to vector<19x8192xf32>
    %sub3A_10 = arith.subf %get3A_1, %sub3A_9 : vector<19x8192xf32>
    %iota3A = tpu.iota {dimensions = array<i32: 0>} : vector<19x8192xi32>
    %eq3A = vector.broadcast %get3A_4 : vector<1x8192xi32> to vector<19x8192xi32>
    %eq3A_11 = arith.cmpi eq, %eq3A, %iota3A : vector<19x8192xi32>
    %convert_element_type3A = arith.extui %eq3A_11 : vector<19x8192xi1> to vector<19x8192xi32>
    %convert_element_type3A_12 = arith.sitofp %convert_element_type3A : vector<19x8192xi32> to vector<19x8192xf32>
    %sub3A_13 = arith.subf %convert_element_type3A_12, %sub3A_10 : vector<19x8192xf32>
    %bitcast_convert_type3A = tpu.bitcast %sub3A_13 : vector<19x8192xf32> -> vector<19x8192xi32>
    %shift_right_logical3A = arith.constant 19 : i32
    %shift_right_logical3A_14 = vector.broadcast %shift_right_logical3A : i32 to vector<19x8192xi32>
    %shift_right_logical3A_15 = arith.shrui %bitcast_convert_type3A, %shift_right_logical3A_14 : vector<19x8192xi32>
    %jit3A = arith.constant 4096 : i32
    %jit3A_16 = arith.constant 0 : i32
    %broadcast_in_dim3A_17 = vector.broadcast %jit3A : i32 to vector<19x8192xi32>
    %broadcast_in_dim3A_18 = vector.broadcast %jit3A_16 : i32 to vector<19x8192xi32>
    %select_n3A = arith.select %eq3A_11, %broadcast_in_dim3A_17, %broadcast_in_dim3A_18 : vector<19x8192xi1>, vector<19x8192xi32>
    %add3A_19 = arith.addi %shift_right_logical3A_15, %select_n3A : vector<19x8192xi32>
    %swap3A = arith.constant 0 : index
    %swap3A_20 = arith.constant 0 : index
    %swap3A_21 = vector.load %arg3[%swap3A, %swap3A_20] : memref<19x8192xi32, #tpu.memory_space<vmem>>, vector<19x8192xi32>
    tpu.vector_store %arg3[%swap3A, %swap3A_20], %add3A_19 {strides = array<i32>} : memref<19x8192xi32, #tpu.memory_space<vmem>>, vector<19x8192xi32>,
    return
  }
  func.func @transform_0(%arg0: i32) -> (i32, i32) {
    %add3A = arith.constant 0 : i32
    %add3A_0 = arith.addi %arg0, %add3A : i32
    %c0_i32 = arith.constant 0 : i32
    %c0_i32_1 = arith.constant 0 : i32
    return %c0_i32, %add3A_0 : i32, i32
  }
  func.func @transform_1(%arg0: i32) -> (i32, i32) {
    %add3A = arith.constant 0 : i32
    %add3A_0 = arith.addi %arg0, %add3A : i32
    %c0_i32 = arith.constant 0 : i32
    %c0_i32_1 = arith.constant 0 : i32
    return %c0_i32, %add3A_0 : i32, i32
  }
  func.func @transform_2(%arg0: i32) -> (i32, i32) {
    %c0_i32 = arith.constant 0 : i32
    %c0_i32_0 = arith.constant 0 : i32
    return %c0_i32, %arg0 : i32, i32
  }
}

module attributes {stable_mosaic.version = 14 : i64} {
  func.func @_loss_body(%arg0: i32, %arg1: memref<1x32x64x128xf32, #tpu.memory_space<vmem>>, %arg2: memref<1x32x64x128xf32, #tpu.memory_space<vmem>>, %arg3: memref<1x1xf32, #tpu.memory_space<vmem>>) attributes {dimension_semantics = [#tpu.dimension_semantics<arbitrary>], iteration_bounds = array<i64: 19>, scalar_prefetch = 0 : i64, scratch_operands = 0 : i64, tpu.core_type = #tpu.core_type<tc>, window_params = [{transform_indices = @transform_0, window_bounds = array<i64: 1, 32, 64, 128>}, {transform_indices = @transform_1, window_bounds = array<i64: 1, 32, 64, 128>}, {pipeline_mode = #tpu.pipeline_mode<synchronous>, transform_indices = @transform_2, window_bounds = array<i64: 1, 1>}]} {
    %eq3A = arith.constant 0 : i32
    %eq3A_0 = arith.cmpi eq, %arg0, %eq3A : i32
    %convert_element_type3A = arith.extui %eq3A_0 : i1 to i32
    %cond3A = arith.constant 0 : i32
    %cond3A_1 = arith.cmpi ne, %convert_element_type3A, %cond3A : i32
    scf.if %cond3A_1 {
      %broadcast_in_dim3A_200 = arith.constant 0.000000e+00 : f32
      %broadcast_in_dim3A_201 = vector.broadcast %broadcast_in_dim3A_200 : f32 to vector<1x1xf32>
      %swap3A_202 = arith.constant 0 : index
      %swap3A_203 = arith.constant 0 : index
      %swap3A_204 = vector.load %arg3[%swap3A_202, %swap3A_203] : memref<1x1xf32, #tpu.memory_space<vmem>>, vector<1x1xf32>
      tpu.vector_store %arg3[%swap3A_202, %swap3A_203], %broadcast_in_dim3A_201 {strides = array<i32>} : memref<1x1xf32, #tpu.memory_space<vmem>>, vector<1x1xf32>,
    } else {
    }
    %get3A = arith.constant 0 : index
    %get3A_2 = arith.constant 0 : index
    %get3A_3 = arith.constant 0 : index
    %get3A_4 = arith.constant 0 : index
    %get3A_5 = vector.load %arg1[%get3A, %get3A_2, %get3A_3, %get3A_4] : memref<1x32x64x128xf32, #tpu.memory_space<vmem>>, vector<1x32x64x128xf32>
    %get3A_6 = vector.shape_cast %get3A_5 : vector<1x32x64x128xf32> to vector<32x64x128xf32>
    %reduce_sum3A = arith.constant dense<0.000000e+00> : vector<64x128xf32>
    %reduce_sum3A_7 = vector.multi_reduction <add>, %get3A_6, %reduce_sum3A [0] : vector<32x64x128xf32> to vector<64x128xf32>
    %get3A_8 = arith.constant 0 : index
    %get3A_9 = arith.constant 0 : index
    %get3A_10 = arith.constant 0 : index
    %get3A_11 = arith.constant 0 : index
    %get3A_12 = vector.load %arg2[%get3A_8, %get3A_9, %get3A_10, %get3A_11] : memref<1x32x64x128xf32, #tpu.memory_space<vmem>>, vector<1x32x64x128xf32>
    %get3A_13 = vector.shape_cast %get3A_12 : vector<1x32x64x128xf32> to vector<32x64x128xf32>
    %reduce_sum3A_14 = arith.constant dense<0.000000e+00> : vector<64x128xf32>
    %reduce_sum3A_15 = vector.multi_reduction <add>, %get3A_13, %reduce_sum3A_14 [0] : vector<32x64x128xf32> to vector<64x128xf32>
    %add3A = arith.addf %reduce_sum3A_7, %reduce_sum3A_15 : vector<64x128xf32>
    %slice3A = vector.extract_strided_slice %add3A {offsets = [32, 0], sizes = [32, 128], strides = [1, 1]} : vector<64x128xf32> to vector<32x128xf32>
    %slice3A_16 = vector.extract_strided_slice %add3A {offsets = [0, 0], sizes = [32, 128], strides = [1, 1]} : vector<64x128xf32> to vector<32x128xf32>
    %add3A_17 = arith.addf %slice3A_16, %slice3A : vector<32x128xf32>
    %broadcast_in_dim3A = arith.constant 0.000000e+00 : f32
    %broadcast_in_dim3A_18 = vector.broadcast %broadcast_in_dim3A : f32 to vector<32x1xf32>
    %slice3A_19 = vector.extract_strided_slice %add3A_17 {offsets = [0, 0], sizes = [32, 127], strides = [1, 1]} : vector<32x128xf32> to vector<32x127xf32>
    %concatenate3A = tpu.concatenate %broadcast_in_dim3A_18, %slice3A_19 in 1 : vector<32x1xf32>, vector<32x127xf32> -> vector<32x128xf32>
    %add3A_20 = arith.addf %add3A_17, %concatenate3A : vector<32x128xf32>
    %broadcast_in_dim3A_21 = arith.constant 0.000000e+00 : f32
    %broadcast_in_dim3A_22 = vector.broadcast %broadcast_in_dim3A_21 : f32 to vector<32x2xf32>
    %slice3A_23 = vector.extract_strided_slice %add3A_20 {offsets = [0, 0], sizes = [32, 126], strides = [1, 1]} : vector<32x128xf32> to vector<32x126xf32>
    %concatenate3A_24 = tpu.concatenate %broadcast_in_dim3A_22, %slice3A_23 in 1 : vector<32x2xf32>, vector<32x126xf32> -> vector<32x128xf32>
    %add3A_25 = arith.addf %add3A_20, %concatenate3A_24 : vector<32x128xf32>
    %broadcast_in_dim3A_26 = arith.constant 0.000000e+00 : f32
    %broadcast_in_dim3A_27 = vector.broadcast %broadcast_in_dim3A_26 : f32 to vector<32x4xf32>
    %slice3A_28 = vector.extract_strided_slice %add3A_25 {offsets = [0, 0], sizes = [32, 124], strides = [1, 1]} : vector<32x128xf32> to vector<32x124xf32>
    %concatenate3A_29 = tpu.concatenate %broadcast_in_dim3A_27, %slice3A_28 in 1 : vector<32x4xf32>, vector<32x124xf32> -> vector<32x128xf32>
    %add3A_30 = arith.addf %add3A_25, %concatenate3A_29 : vector<32x128xf32>
    %broadcast_in_dim3A_31 = arith.constant 0.000000e+00 : f32
    %broadcast_in_dim3A_32 = vector.broadcast %broadcast_in_dim3A_31 : f32 to vector<32x8xf32>
    %slice3A_33 = vector.extract_strided_slice %add3A_30 {offsets = [0, 0], sizes = [32, 120], strides = [1, 1]} : vector<32x128xf32> to vector<32x120xf32>
    %concatenate3A_34 = tpu.concatenate %broadcast_in_dim3A_32, %slice3A_33 in 1 : vector<32x8xf32>, vector<32x120xf32> -> vector<32x128xf32>
    %add3A_35 = arith.addf %add3A_30, %concatenate3A_34 : vector<32x128xf32>
    %broadcast_in_dim3A_36 = arith.constant 0.000000e+00 : f32
    %broadcast_in_dim3A_37 = vector.broadcast %broadcast_in_dim3A_36 : f32 to vector<32x16xf32>
    %slice3A_38 = vector.extract_strided_slice %add3A_35 {offsets = [0, 0], sizes = [32, 112], strides = [1, 1]} : vector<32x128xf32> to vector<32x112xf32>
    %concatenate3A_39 = tpu.concatenate %broadcast_in_dim3A_37, %slice3A_38 in 1 : vector<32x16xf32>, vector<32x112xf32> -> vector<32x128xf32>
    %add3A_40 = arith.addf %add3A_35, %concatenate3A_39 : vector<32x128xf32>
    %broadcast_in_dim3A_41 = arith.constant 0.000000e+00 : f32
    %broadcast_in_dim3A_42 = vector.broadcast %broadcast_in_dim3A_41 : f32 to vector<32x32xf32>
    %slice3A_43 = vector.extract_strided_slice %add3A_40 {offsets = [0, 0], sizes = [32, 96], strides = [1, 1]} : vector<32x128xf32> to vector<32x96xf32>
    %concatenate3A_44 = tpu.concatenate %broadcast_in_dim3A_42, %slice3A_43 in 1 : vector<32x32xf32>, vector<32x96xf32> -> vector<32x128xf32>
    %add3A_45 = arith.addf %add3A_40, %concatenate3A_44 : vector<32x128xf32>
    %broadcast_in_dim3A_46 = arith.constant 0.000000e+00 : f32
    %broadcast_in_dim3A_47 = vector.broadcast %broadcast_in_dim3A_46 : f32 to vector<32x64xf32>
    %slice3A_48 = vector.extract_strided_slice %add3A_45 {offsets = [0, 0], sizes = [32, 64], strides = [1, 1]} : vector<32x128xf32> to vector<32x64xf32>
    %concatenate3A_49 = tpu.concatenate %broadcast_in_dim3A_47, %slice3A_48 in 1 : vector<32x64xf32>, vector<32x64xf32> -> vector<32x128xf32>
    %add3A_50 = arith.addf %add3A_45, %concatenate3A_49 : vector<32x128xf32>
    %slice3A_51 = vector.extract_strided_slice %add3A_50 {offsets = [0, 127], sizes = [32, 1], strides = [1, 1]} : vector<32x128xf32> to vector<32x1xf32>
    %broadcast_in_dim3A_52 = arith.constant 0.000000e+00 : f32
    %broadcast_in_dim3A_53 = vector.broadcast %broadcast_in_dim3A_52 : f32 to vector<1x1xf32>
    %slice3A_54 = vector.extract_strided_slice %slice3A_51 {offsets = [0, 0], sizes = [31, 1], strides = [1, 1]} : vector<32x1xf32> to vector<31x1xf32>
    %concatenate3A_55 = tpu.concatenate %broadcast_in_dim3A_53, %slice3A_54 in 0 : vector<1x1xf32>, vector<31x1xf32> -> vector<32x1xf32>
    %add3A_56 = arith.addf %slice3A_51, %concatenate3A_55 : vector<32x1xf32>
    %broadcast_in_dim3A_57 = arith.constant 0.000000e+00 : f32
    %broadcast_in_dim3A_58 = vector.broadcast %broadcast_in_dim3A_57 : f32 to vector<2x1xf32>
    %slice3A_59 = vector.extract_strided_slice %add3A_56 {offsets = [0, 0], sizes = [30, 1], strides = [1, 1]} : vector<32x1xf32> to vector<30x1xf32>
    %concatenate3A_60 = tpu.concatenate %broadcast_in_dim3A_58, %slice3A_59 in 0 : vector<2x1xf32>, vector<30x1xf32> -> vector<32x1xf32>
    %add3A_61 = arith.addf %add3A_56, %concatenate3A_60 : vector<32x1xf32>
    %broadcast_in_dim3A_62 = arith.constant 0.000000e+00 : f32
    %broadcast_in_dim3A_63 = vector.broadcast %broadcast_in_dim3A_62 : f32 to vector<4x1xf32>
    %slice3A_64 = vector.extract_strided_slice %add3A_61 {offsets = [0, 0], sizes = [28, 1], strides = [1, 1]} : vector<32x1xf32> to vector<28x1xf32>
    %concatenate3A_65 = tpu.concatenate %broadcast_in_dim3A_63, %slice3A_64 in 0 : vector<4x1xf32>, vector<28x1xf32> -> vector<32x1xf32>
    %add3A_66 = arith.addf %add3A_61, %concatenate3A_65 : vector<32x1xf32>
    %broadcast_in_dim3A_67 = arith.constant 0.000000e+00 : f32
    %broadcast_in_dim3A_68 = vector.broadcast %broadcast_in_dim3A_67 : f32 to vector<8x1xf32>
    %slice3A_69 = vector.extract_strided_slice %add3A_66 {offsets = [0, 0], sizes = [24, 1], strides = [1, 1]} : vector<32x1xf32> to vector<24x1xf32>
    %concatenate3A_70 = tpu.concatenate %broadcast_in_dim3A_68, %slice3A_69 in 0 : vector<8x1xf32>, vector<24x1xf32> -> vector<32x1xf32>
    %add3A_71 = arith.addf %add3A_66, %concatenate3A_70 : vector<32x1xf32>
    %broadcast_in_dim3A_72 = arith.constant 0.000000e+00 : f32
    %broadcast_in_dim3A_73 = vector.broadcast %broadcast_in_dim3A_72 : f32 to vector<16x1xf32>
    %slice3A_74 = vector.extract_strided_slice %add3A_71 {offsets = [0, 0], sizes = [16, 1], strides = [1, 1]} : vector<32x1xf32> to vector<16x1xf32>
    %concatenate3A_75 = tpu.concatenate %broadcast_in_dim3A_73, %slice3A_74 in 0 : vector<16x1xf32>, vector<16x1xf32> -> vector<32x1xf32>
    %add3A_76 = arith.addf %add3A_71, %concatenate3A_75 : vector<32x1xf32>
    %sub3A = arith.subf %add3A_76, %slice3A_51 : vector<32x1xf32>
    %slice3A_77 = vector.extract_strided_slice %sub3A {offsets = [31, 0], sizes = [1, 1], strides = [1, 1]} : vector<32x1xf32> to vector<1x1xf32>
    %slice3A_78 = vector.extract_strided_slice %slice3A_51 {offsets = [31, 0], sizes = [1, 1], strides = [1, 1]} : vector<32x1xf32> to vector<1x1xf32>
    %add3A_79 = arith.addf %slice3A_77, %slice3A_78 : vector<1x1xf32>
    %add3A_80 = vector.broadcast %sub3A : vector<32x1xf32> to vector<32x128xf32>
    %add3A_81 = arith.addf %add3A_50, %add3A_80 : vector<32x128xf32>
    %sub3A_82 = arith.subf %add3A_81, %add3A_17 : vector<32x128xf32>
    %sub3A_83 = vector.broadcast %add3A_79 : vector<1x1xf32> to vector<32x128xf32>
    %sub3A_84 = arith.subf %sub3A_83, %sub3A_82 : vector<32x128xf32>
    %broadcast_in_dim3A_85 = arith.constant 0.000000e+00 : f32
    %broadcast_in_dim3A_86 = vector.broadcast %broadcast_in_dim3A_85 : f32 to vector<32x1xf32>
    %slice3A_87 = vector.extract_strided_slice %slice3A {offsets = [0, 0], sizes = [32, 127], strides = [1, 1]} : vector<32x128xf32> to vector<32x127xf32>
    %concatenate3A_88 = tpu.concatenate %broadcast_in_dim3A_86, %slice3A_87 in 1 : vector<32x1xf32>, vector<32x127xf32> -> vector<32x128xf32>
    %add3A_89 = arith.addf %slice3A, %concatenate3A_88 : vector<32x128xf32>
    %broadcast_in_dim3A_90 = arith.constant 0.000000e+00 : f32
    %broadcast_in_dim3A_91 = vector.broadcast %broadcast_in_dim3A_90 : f32 to vector<32x2xf32>
    %slice3A_92 = vector.extract_strided_slice %add3A_89 {offsets = [0, 0], sizes = [32, 126], strides = [1, 1]} : vector<32x128xf32> to vector<32x126xf32>
    %concatenate3A_93 = tpu.concatenate %broadcast_in_dim3A_91, %slice3A_92 in 1 : vector<32x2xf32>, vector<32x126xf32> -> vector<32x128xf32>
    %add3A_94 = arith.addf %add3A_89, %concatenate3A_93 : vector<32x128xf32>
    %broadcast_in_dim3A_95 = arith.constant 0.000000e+00 : f32
    %broadcast_in_dim3A_96 = vector.broadcast %broadcast_in_dim3A_95 : f32 to vector<32x4xf32>
    %slice3A_97 = vector.extract_strided_slice %add3A_94 {offsets = [0, 0], sizes = [32, 124], strides = [1, 1]} : vector<32x128xf32> to vector<32x124xf32>
    %concatenate3A_98 = tpu.concatenate %broadcast_in_dim3A_96, %slice3A_97 in 1 : vector<32x4xf32>, vector<32x124xf32> -> vector<32x128xf32>
    %add3A_99 = arith.addf %add3A_94, %concatenate3A_98 : vector<32x128xf32>
    %broadcast_in_dim3A_100 = arith.constant 0.000000e+00 : f32
    %broadcast_in_dim3A_101 = vector.broadcast %broadcast_in_dim3A_100 : f32 to vector<32x8xf32>
    %slice3A_102 = vector.extract_strided_slice %add3A_99 {offsets = [0, 0], sizes = [32, 120], strides = [1, 1]} : vector<32x128xf32> to vector<32x120xf32>
    %concatenate3A_103 = tpu.concatenate %broadcast_in_dim3A_101, %slice3A_102 in 1 : vector<32x8xf32>, vector<32x120xf32> -> vector<32x128xf32>
    %add3A_104 = arith.addf %add3A_99, %concatenate3A_103 : vector<32x128xf32>
    %broadcast_in_dim3A_105 = arith.constant 0.000000e+00 : f32
    %broadcast_in_dim3A_106 = vector.broadcast %broadcast_in_dim3A_105 : f32 to vector<32x16xf32>
    %slice3A_107 = vector.extract_strided_slice %add3A_104 {offsets = [0, 0], sizes = [32, 112], strides = [1, 1]} : vector<32x128xf32> to vector<32x112xf32>
    %concatenate3A_108 = tpu.concatenate %broadcast_in_dim3A_106, %slice3A_107 in 1 : vector<32x16xf32>, vector<32x112xf32> -> vector<32x128xf32>
    %add3A_109 = arith.addf %add3A_104, %concatenate3A_108 : vector<32x128xf32>
    %broadcast_in_dim3A_110 = arith.constant 0.000000e+00 : f32
    %broadcast_in_dim3A_111 = vector.broadcast %broadcast_in_dim3A_110 : f32 to vector<32x32xf32>
    %slice3A_112 = vector.extract_strided_slice %add3A_109 {offsets = [0, 0], sizes = [32, 96], strides = [1, 1]} : vector<32x128xf32> to vector<32x96xf32>
    %concatenate3A_113 = tpu.concatenate %broadcast_in_dim3A_111, %slice3A_112 in 1 : vector<32x32xf32>, vector<32x96xf32> -> vector<32x128xf32>
    %add3A_114 = arith.addf %add3A_109, %concatenate3A_113 : vector<32x128xf32>
    %broadcast_in_dim3A_115 = arith.constant 0.000000e+00 : f32
    %broadcast_in_dim3A_116 = vector.broadcast %broadcast_in_dim3A_115 : f32 to vector<32x64xf32>
    %slice3A_117 = vector.extract_strided_slice %add3A_114 {offsets = [0, 0], sizes = [32, 64], strides = [1, 1]} : vector<32x128xf32> to vector<32x64xf32>
    %concatenate3A_118 = tpu.concatenate %broadcast_in_dim3A_116, %slice3A_117 in 1 : vector<32x64xf32>, vector<32x64xf32> -> vector<32x128xf32>
    %add3A_119 = arith.addf %add3A_114, %concatenate3A_118 : vector<32x128xf32>
    %slice3A_120 = vector.extract_strided_slice %add3A_119 {offsets = [0, 127], sizes = [32, 1], strides = [1, 1]} : vector<32x128xf32> to vector<32x1xf32>
    %broadcast_in_dim3A_121 = arith.constant 0.000000e+00 : f32
    %broadcast_in_dim3A_122 = vector.broadcast %broadcast_in_dim3A_121 : f32 to vector<1x1xf32>
    %slice3A_123 = vector.extract_strided_slice %slice3A_120 {offsets = [0, 0], sizes = [31, 1], strides = [1, 1]} : vector<32x1xf32> to vector<31x1xf32>
    %concatenate3A_124 = tpu.concatenate %broadcast_in_dim3A_122, %slice3A_123 in 0 : vector<1x1xf32>, vector<31x1xf32> -> vector<32x1xf32>
    %add3A_125 = arith.addf %slice3A_120, %concatenate3A_124 : vector<32x1xf32>
    %broadcast_in_dim3A_126 = arith.constant 0.000000e+00 : f32
    %broadcast_in_dim3A_127 = vector.broadcast %broadcast_in_dim3A_126 : f32 to vector<2x1xf32>
    %slice3A_128 = vector.extract_strided_slice %add3A_125 {offsets = [0, 0], sizes = [30, 1], strides = [1, 1]} : vector<32x1xf32> to vector<30x1xf32>
    %concatenate3A_129 = tpu.concatenate %broadcast_in_dim3A_127, %slice3A_128 in 0 : vector<2x1xf32>, vector<30x1xf32> -> vector<32x1xf32>
    %add3A_130 = arith.addf %add3A_125, %concatenate3A_129 : vector<32x1xf32>
    %broadcast_in_dim3A_131 = arith.constant 0.000000e+00 : f32
    %broadcast_in_dim3A_132 = vector.broadcast %broadcast_in_dim3A_131 : f32 to vector<4x1xf32>
    %slice3A_133 = vector.extract_strided_slice %add3A_130 {offsets = [0, 0], sizes = [28, 1], strides = [1, 1]} : vector<32x1xf32> to vector<28x1xf32>
    %concatenate3A_134 = tpu.concatenate %broadcast_in_dim3A_132, %slice3A_133 in 0 : vector<4x1xf32>, vector<28x1xf32> -> vector<32x1xf32>
    %add3A_135 = arith.addf %add3A_130, %concatenate3A_134 : vector<32x1xf32>
    %broadcast_in_dim3A_136 = arith.constant 0.000000e+00 : f32
    %broadcast_in_dim3A_137 = vector.broadcast %broadcast_in_dim3A_136 : f32 to vector<8x1xf32>
    %slice3A_138 = vector.extract_strided_slice %add3A_135 {offsets = [0, 0], sizes = [24, 1], strides = [1, 1]} : vector<32x1xf32> to vector<24x1xf32>
    %concatenate3A_139 = tpu.concatenate %broadcast_in_dim3A_137, %slice3A_138 in 0 : vector<8x1xf32>, vector<24x1xf32> -> vector<32x1xf32>
    %add3A_140 = arith.addf %add3A_135, %concatenate3A_139 : vector<32x1xf32>
    %broadcast_in_dim3A_141 = arith.constant 0.000000e+00 : f32
    %broadcast_in_dim3A_142 = vector.broadcast %broadcast_in_dim3A_141 : f32 to vector<16x1xf32>
    %slice3A_143 = vector.extract_strided_slice %add3A_140 {offsets = [0, 0], sizes = [16, 1], strides = [1, 1]} : vector<32x1xf32> to vector<16x1xf32>
    %concatenate3A_144 = tpu.concatenate %broadcast_in_dim3A_142, %slice3A_143 in 0 : vector<16x1xf32>, vector<16x1xf32> -> vector<32x1xf32>
    %add3A_145 = arith.addf %add3A_140, %concatenate3A_144 : vector<32x1xf32>
    %sub3A_146 = arith.subf %add3A_145, %slice3A_120 : vector<32x1xf32>
    %slice3A_147 = vector.extract_strided_slice %sub3A_146 {offsets = [31, 0], sizes = [1, 1], strides = [1, 1]} : vector<32x1xf32> to vector<1x1xf32>
    %slice3A_148 = vector.extract_strided_slice %slice3A_120 {offsets = [31, 0], sizes = [1, 1], strides = [1, 1]} : vector<32x1xf32> to vector<1x1xf32>
    %add3A_149 = arith.addf %slice3A_147, %slice3A_148 : vector<1x1xf32>
    %add3A_150 = vector.broadcast %sub3A_146 : vector<32x1xf32> to vector<32x128xf32>
    %add3A_151 = arith.addf %add3A_119, %add3A_150 : vector<32x128xf32>
    %sub3A_152 = arith.subf %add3A_151, %slice3A : vector<32x128xf32>
    %sub3A_153 = vector.broadcast %add3A_149 : vector<1x1xf32> to vector<32x128xf32>
    %sub3A_154 = arith.subf %sub3A_153, %sub3A_152 : vector<32x128xf32>
    %squeeze3A = vector.extract %add3A_149[0, 0] : f32 from vector<1x1xf32>
    %iota3A = tpu.iota {dimensions = array<i32: 0>} : vector<32x128xi32>
    %mul3A = arith.constant 128 : i32
    %mul3A_155 = vector.broadcast %mul3A : i32 to vector<32x128xi32>
    %mul3A_156 = arith.muli %iota3A, %mul3A_155 : vector<32x128xi32>
    %iota3A_157 = tpu.iota {dimensions = array<i32: 1>} : vector<32x128xi32>
    %add3A_158 = arith.addi %mul3A_156, %iota3A_157 : vector<32x128xi32>
    %add3A_159 = arith.constant 1 : i32
    %add3A_160 = vector.broadcast %add3A_159 : i32 to vector<32x128xi32>
    %add3A_161 = arith.addi %add3A_158, %add3A_160 : vector<32x128xi32>
    %min3A = arith.constant 4064 : i32
    %min3A_162 = vector.broadcast %min3A : i32 to vector<32x128xi32>
    %min3A_163 = arith.minsi %add3A_161, %min3A_162 : vector<32x128xi32>
    %shift_left3A = arith.constant 19 : i32
    %shift_left3A_164 = vector.broadcast %shift_left3A : i32 to vector<32x128xi32>
    %shift_left3A_165 = arith.shli %min3A_163, %shift_left3A_164 : vector<32x128xi32>
    %sub3A_166 = arith.constant 1 : i32
    %sub3A_167 = vector.broadcast %sub3A_166 : i32 to vector<32x128xi32>
    %sub3A_168 = arith.subi %add3A_158, %sub3A_167 : vector<32x128xi32>
    %max3A = arith.constant 0 : i32
    %max3A_169 = vector.broadcast %max3A : i32 to vector<32x128xi32>
    %max3A_170 = arith.maxsi %sub3A_168, %max3A_169 : vector<32x128xi32>
    %min3A_171 = arith.constant 4064 : i32
    %min3A_172 = vector.broadcast %min3A_171 : i32 to vector<32x128xi32>
    %min3A_173 = arith.minsi %max3A_170, %min3A_172 : vector<32x128xi32>
    %shift_left3A_174 = arith.constant 19 : i32
    %shift_left3A_175 = vector.broadcast %shift_left3A_174 : i32 to vector<32x128xi32>
    %shift_left3A_176 = arith.shli %min3A_173, %shift_left3A_175 : vector<32x128xi32>
    %bitcast_convert_type3A = tpu.bitcast %shift_left3A_165 : vector<32x128xi32> -> vector<32x128xf32>
    %bitcast_convert_type3A_177 = tpu.bitcast %shift_left3A_176 : vector<32x128xi32> -> vector<32x128xf32>
    %sub3A_178 = arith.subf %bitcast_convert_type3A, %bitcast_convert_type3A_177 : vector<32x128xf32>
    %mul3A_179 = arith.constant 5.000000e-01 : f32
    %mul3A_180 = vector.broadcast %mul3A_179 : f32 to vector<32x128xf32>
    %mul3A_181 = arith.mulf %sub3A_178, %mul3A_180 : vector<32x128xf32>
    %add3A_182 = vector.broadcast %squeeze3A : f32 to vector<32x128xf32>
    %add3A_183 = arith.addf %add3A_182, %sub3A_84 : vector<32x128xf32>
    %sub3A_184 = arith.subf %add3A_183, %sub3A_154 : vector<32x128xf32>
    %div3A = arith.divf %sub3A_84, %sub3A_184 : vector<32x128xf32>
    %get3A_185 = arith.constant 0 : index
    %get3A_186 = arith.constant 0 : index
    %get3A_187 = vector.load %arg3[%get3A_185, %get3A_186] : memref<1x1xf32, #tpu.memory_space<vmem>>, vector<1x1xf32>
    %mul3A_188 = arith.mulf %mul3A_181, %div3A : vector<32x128xf32>
    %reduce_sum3A_189 = vector.shape_cast %mul3A_188 : vector<32x128xf32> to vector<1x32x128xf32>
    %reduce_sum3A_190 = arith.constant dense<0.000000e+00> : vector<1xf32>
    %reduce_sum3A_191 = vector.multi_reduction <add>, %reduce_sum3A_189, %reduce_sum3A_190 [1, 2] : vector<1x32x128xf32> to vector<1xf32>
    %reduce_sum3A_192 = vector.shape_cast %reduce_sum3A_191 : vector<1xf32> to vector<1x1x1xf32>
    %reduce_sum3A_193 = vector.extract %reduce_sum3A_192[0, 0, 0] : f32 from vector<1x1x1xf32>
    %reshape3A = vector.broadcast %reduce_sum3A_193 : f32 to vector<1x1xf32>
    %mul3A_194 = arith.constant 0.0526315793 : f32
    %mul3A_195 = vector.broadcast %mul3A_194 : f32 to vector<1x1xf32>
    %mul3A_196 = arith.mulf %reshape3A, %mul3A_195 : vector<1x1xf32>
    %add3A_197 = arith.addf %get3A_187, %mul3A_196 : vector<1x1xf32>
    %swap3A = arith.constant 0 : index
    %swap3A_198 = arith.constant 0 : index
    %swap3A_199 = vector.load %arg3[%swap3A, %swap3A_198] : memref<1x1xf32, #tpu.memory_space<vmem>>, vector<1x1xf32>
    tpu.vector_store %arg3[%swap3A, %swap3A_198], %add3A_197 {strides = array<i32>} : memref<1x1xf32, #tpu.memory_space<vmem>>, vector<1x1xf32>,
    return
  }
  func.func @transform_0(%arg0: i32) -> (i32, i32, i32, i32) {
    %c0_i32 = arith.constant 0 : i32
    %c0_i32_0 = arith.constant 0 : i32
    %c0_i32_1 = arith.constant 0 : i32
    %c0_i32_2 = arith.constant 0 : i32
    return %arg0, %c0_i32, %c0_i32_0, %c0_i32_1 : i32, i32, i32, i32
  }
  func.func @transform_1(%arg0: i32) -> (i32, i32, i32, i32) {
    %c0_i32 = arith.constant 0 : i32
    %c0_i32_0 = arith.constant 0 : i32
    %c0_i32_1 = arith.constant 0 : i32
    %c0_i32_2 = arith.constant 0 : i32
    return %arg0, %c0_i32, %c0_i32_0, %c0_i32_1 : i32, i32, i32, i32
  }
  func.func @transform_2(%arg0: i32) -> (i32, i32) {
    %c0_i32 = arith.constant 0 : i32
    %c0_i32_0 = arith.constant 0 : i32
    %c0_i32_1 = arith.constant 0 : i32
    return %c0_i32, %c0_i32_0 : i32, i32
  }
}

module attributes {stable_mosaic.version = 14 : i64} {
  func.func @_keys_body(%arg0: i32, %arg1: memref<19x8192xf32, #tpu.memory_space<vmem>>, %arg2: memref<1x8192xi32, #tpu.memory_space<vmem>>, %arg3: memref<19x8192xi32, #tpu.memory_space<vmem>>) attributes {dimension_semantics = [#tpu.dimension_semantics<arbitrary>], iteration_bounds = array<i64: 64>, scalar_prefetch = 0 : i64, scratch_operands = 0 : i64, tpu.core_type = #tpu.core_type<tc>, window_params = [{transform_indices = @transform_0, window_bounds = array<i64: 19, 8192>}, {transform_indices = @transform_1, window_bounds = array<i64: 1, 8192>}, {transform_indices = @transform_2, window_bounds = array<i64: 19, 8192>}]} {
    %get3A = arith.constant 0 : index
    %get3A_0 = arith.constant 0 : index
    %get3A_1 = vector.load %arg1[%get3A, %get3A_0] : memref<19x8192xf32, #tpu.memory_space<vmem>>, vector<19x8192xf32>
    %get3A_2 = arith.constant 0 : index
    %get3A_3 = arith.constant 0 : index
    %get3A_4 = vector.load %arg2[%get3A_2, %get3A_3] : memref<1x8192xi32, #tpu.memory_space<vmem>>, vector<1x8192xi32>
    %reduce_max3A = arith.constant dense<0xFF800000> : vector<8192xf32>
    %reduce_max3A_5 = vector.multi_reduction <maximumf>, %get3A_1, %reduce_max3A [0] : vector<19x8192xf32> to vector<8192xf32>
    %broadcast_in_dim3A = vector.shape_cast %reduce_max3A_5 : vector<8192xf32> to vector<1x8192xf32>
    %sub3A = vector.broadcast %broadcast_in_dim3A : vector<1x8192xf32> to vector<19x8192xf32>
    %sub3A_6 = arith.subf %get3A_1, %sub3A : vector<19x8192xf32>
    %exp3A = math.exp %sub3A_6 : vector<19x8192xf32>
    %reduce_sum3A = arith.constant dense<0.000000e+00> : vector<8192xf32>
    %reduce_sum3A_7 = vector.multi_reduction <add>, %exp3A, %reduce_sum3A [0] : vector<19x8192xf32> to vector<8192xf32>
    %broadcast_in_dim3A_8 = vector.shape_cast %reduce_sum3A_7 : vector<8192xf32> to vector<1x8192xf32>
    %log3A = math.log %broadcast_in_dim3A_8 : vector<1x8192xf32>
    %add3A = arith.addf %broadcast_in_dim3A, %log3A : vector<1x8192xf32>
    %sub3A_9 = vector.broadcast %add3A : vector<1x8192xf32> to vector<19x8192xf32>
    %sub3A_10 = arith.subf %get3A_1, %sub3A_9 : vector<19x8192xf32>
    %iota3A = tpu.iota {dimensions = array<i32: 0>} : vector<19x8192xi32>
    %eq3A = vector.broadcast %get3A_4 : vector<1x8192xi32> to vector<19x8192xi32>
    %eq3A_11 = arith.cmpi eq, %eq3A, %iota3A : vector<19x8192xi32>
    %convert_element_type3A = arith.extui %eq3A_11 : vector<19x8192xi1> to vector<19x8192xi32>
    %convert_element_type3A_12 = arith.sitofp %convert_element_type3A : vector<19x8192xi32> to vector<19x8192xf32>
    %sub3A_13 = arith.subf %convert_element_type3A_12, %sub3A_10 : vector<19x8192xf32>
    %bitcast_convert_type3A = tpu.bitcast %sub3A_13 : vector<19x8192xf32> -> vector<19x8192xi32>
    %shift_right_logical3A = arith.constant 19 : i32
    %shift_right_logical3A_14 = vector.broadcast %shift_right_logical3A : i32 to vector<19x8192xi32>
    %shift_right_logical3A_15 = arith.shrui %bitcast_convert_type3A, %shift_right_logical3A_14 : vector<19x8192xi32>
    %jit3A = arith.constant 4096 : i32
    %jit3A_16 = arith.constant 0 : i32
    %broadcast_in_dim3A_17 = vector.broadcast %jit3A : i32 to vector<19x8192xi32>
    %broadcast_in_dim3A_18 = vector.broadcast %jit3A_16 : i32 to vector<19x8192xi32>
    %select_n3A = arith.select %eq3A_11, %broadcast_in_dim3A_17, %broadcast_in_dim3A_18 : vector<19x8192xi1>, vector<19x8192xi32>
    %add3A_19 = arith.addi %shift_right_logical3A_15, %select_n3A : vector<19x8192xi32>
    %swap3A = arith.constant 0 : index
    %swap3A_20 = arith.constant 0 : index
    %swap3A_21 = vector.load %arg3[%swap3A, %swap3A_20] : memref<19x8192xi32, #tpu.memory_space<vmem>>, vector<19x8192xi32>
    tpu.vector_store %arg3[%swap3A, %swap3A_20], %add3A_19 {strides = array<i32>} : memref<19x8192xi32, #tpu.memory_space<vmem>>, vector<19x8192xi32>,
    return
  }
  func.func @transform_0(%arg0: i32) -> (i32, i32) {
    %add3A = arith.constant 64 : i32
    %add3A_0 = arith.addi %arg0, %add3A : i32
    %c0_i32 = arith.constant 0 : i32
    %c0_i32_1 = arith.constant 0 : i32
    return %c0_i32, %add3A_0 : i32, i32
  }
  func.func @transform_1(%arg0: i32) -> (i32, i32) {
    %add3A = arith.constant 64 : i32
    %add3A_0 = arith.addi %arg0, %add3A : i32
    %c0_i32 = arith.constant 0 : i32
    %c0_i32_1 = arith.constant 0 : i32
    return %c0_i32, %add3A_0 : i32, i32
  }
  func.func @transform_2(%arg0: i32) -> (i32, i32) {
    %c0_i32 = arith.constant 0 : i32
    %c0_i32_0 = arith.constant 0 : i32
    return %c0_i32, %arg0 : i32, i32
  }
}

</mosaic_0001>

<sc_bundles>
// kernel: kernel.10.cloned.1.call-start
scs
__scs_entry_jumppad:
0x0: {  	(pc) =	sbr.rel $0x88, $3  }
0x1: {  	(tag) =	ssettag $0x0;
	lr =	simm.s32 $0x1  }
0x2: {  	[smem:$0x3F9F] =	sst lr;
	_ =	strace $0xD0000000  }
0x3: {  	_ = 	snop  }
0x4: {  	_ = 	snop  }
0x5: {  	_ = 	snop  }
0x6: {  	_ = 	snop  }
0x7: {  	_ = 	snop  }
__scs_overlays_trampoline_lowered:
0x8: {  	[smem:$0x3FAE] =	sst s0  }
0x9: {  	[smem:$0x3FAF] =	sst s1  }
0xa: {  	[smem:$0x3FB0] =	sst s2  }
0xb: {  	[smem:$0x3FB1] =	sst s3  }
0xc: {  	[smem:$0x3FB2] =	sst s4  }
0xd: {  	[smem:$0x3FB3] =	sst s5  }
0xe: {  	[smem:$0x3FB4] =	sst s6  }
0xf: {  	[smem:$0x3FB5] =	sst s7  }
0x10: {  	[smem:$0x3FB6] =	sst s8  }
0x11: {  	[smem:$0x3FB7] =	sst s9;
	s0 =	simm.s32 @!p0 $0x0  }
0x12: {  	s1 =	sld [smem:$0x3F9D];
	s0 =	simm.s32 @p0 $0x1  }
0x13: {  	[smem:$0x3FB8] =	sst s0;
	s0 =	simm.s32 @!p1 $0x0  }
0x14: {  	s2 =	sld [smem:$0x3F9C];
	s0 =	simm.s32 @p1 $0x1  }
0x15: {  	[smem:$0x3FB9] =	sst s0;
	s0 =	simm.s32 @!p2 $0x0  }
0x16: {  	s3 =	sld [smem:$0x3FDB];
	s0 =	simm.s32 @p2 $0x1  }
0x17: {  	s4 =	simm.s32 $0x1BF5;
	[smem:$0x3FBB] =	sst s0  }
0x18: {  	s0 =	sld [smem:$0x3F9E];
	_ =	swait.ge [sflag:s4], $0x0  }
0x19: {  	s7 =	sld [smem:$0x3F9F]  }
0x1a: {  	s8 =	sadd.s32 $0xFFFFE003, lr  }
0x1b: {  	s9 =	sadd.s32 $0xFFFFFEF7, lr;
	s5 =	simm.s32 $0xFFFFFFFF;
	p2 =	slt.u32 s8, $0xFFFFF086  }
0x1c: {  	p1 =	slt.u32 s9, $0xF7A;
	s5 =	simm.s32 @!p2 $0x0  }
0x1d: {  	s5 =	simm.s32 @p1 $0x1;
	p0 =	seq.s32 s7, s2  }
0x1e: {  	s7 =	smul.u32 @!p0 $0xF7A, s2;
	p2 =	seq.s32 @!p0 s5, $0x0  }
0x1f: {  	s9 =	smul.u32 $0xF7A, s1;
	s8 =	simm.s32 @!p0 $0x1BF5;
	p2 =	por !p2, p0  }
0x20: {  	[sflag:s8] =	ssyncset.s32 @!p0 $0xFFFFF086;
	s6 =	sadd.s32 @!p0 s3, s7;
	s7 =	simm.s32 @!p0 $0x108  }
0x21: {  	s3 =	sadd.s32 s3, s9;
	s6 =	sadd.s32 @!p0 $0x88, s6;
	s7 =	simm.s32 @p2 $0x1082  }
0x22: {  	[simem:s7], [sflag:s8] =	dma.local @!p0 [hbm:s6], $0xF7A  }
0x23: {  	s9 =	sor.u32 $0xD0000000, s2;
	s6 =	simm.s32 $0x108;
	_ =	swait.ge @!p0 [sflag:s8], $0x0  }
0x24: {  	s3 =	sadd.s32 $0x88, s3;
	s6 =	simm.s32 @!p1 $0x1082;
	[sflag:s4] =	ssyncset.s32 $0xFFFFF086  }
0x25: {  	[simem:s6], [sflag:s4] =	dma.local [hbm:s3], $0xF7A  }
0x26: {  	[smem:$0x3F9F] =	sst s1;
	(tag) =	ssettag s2;
	_ =	strace s9  }
0x27: {  	s1 =	sld [smem:$0x3FAF]  }
0x28: {  	s2 =	sld [smem:$0x3FB0]  }
0x29: {  	s4 =	sld [smem:$0x3FB2]  }
0x2a: {  	p0 =	seq.s32 s5, $0x0;
	s5 =	sld [smem:$0x3FB3]  }
0x2b: {  	s6 =	sld [smem:$0x3FB4]  }
0x2c: {  	s7 =	sld [smem:$0x3FB5]  }
0x2d: {  	s3 =	simm.s32 $0x108;
	s8 =	sld [smem:$0x3FB6]  }
0x2e: {  	s3 =	simm.s32 @!p0 $0x1082;
	s9 =	sld [smem:$0x3FB7]  }
0x2f: {  	lr =	sadd.s32 s0, s3;
	s0 =	sld [smem:$0x3FAE]  }
0x30: {  	s3 =	sld [smem:$0x3FB1]  }
0x31: {  	[smem:$0x3FBA] =	sst s10  }
0x32: {  	s10 =	sld [smem:$0x3FB8];
	_ =	sdelay $0x3  }
0x33: {  	p0 =	seq.s32 s10, $0x1;
	s10 =	sld [smem:$0x3FBA];
	_ =	sdelay $0x3  }
0x34: {  	[smem:$0x3FBA] =	sst s10  }
0x35: {  	s10 =	sld [smem:$0x3FB9];
	_ =	sdelay $0x3  }
0x36: {  	p1 =	seq.s32 s10, $0x1;
	s10 =	sld [smem:$0x3FBA];
	_ =	sdelay $0x3  }
0x37: {  	[smem:$0x3FBA] =	sst s10  }
0x38: {  	s10 =	sld [smem:$0x3FBB]  }
0x39: {  	_ = 	snop;
	(pc) =	sbr.ind lr, $3  }
0x3a: {  	_ = 	snop  }
0x3b: {  	_ = 	snop  }
0x3c: {  	p2 =	seq.s32 s10, $0x1;
	s10 =	sld [smem:$0x3FBA]  }
0x3d: {  	_ =	shalt  }
0x3e: {  	_ =	shalt  }
0x3f: {  	_ =	shalt  }
0x40: {  	_ =	shalt  }
0x41: {  	_ =	shalt  }
0x42: {  	_ =	shalt  }
0x43: {  	_ =	shalt  }
0x44: {  	_ =	shalt  }
0x45: {  	_ =	shalt  }
0x46: {  	_ =	shalt  }
0x47: {  	_ =	shalt  }
0x48: {  	_ =	shalt  }
0x49: {  	_ =	shalt  }
0x4a: {  	_ =	shalt  }
0x4b: {  	_ =	shalt  }
0x4c: {  	_ =	shalt  }
0x4d: {  	_ =	shalt  }
0x4e: {  	_ =	shalt  }
0x4f: {  	_ =	shalt  }
0x50: {  	_ =	shalt  }
0x51: {  	_ =	shalt  }
0x52: {  	_ =	shalt  }
0x53: {  	_ =	shalt  }
0x54: {  	_ =	shalt  }
0x55: {  	_ =	shalt  }
0x56: {  	_ =	shalt  }
0x57: {  	_ =	shalt  }
0x58: {  	_ =	shalt  }
0x59: {  	_ =	shalt  }
0x5a: {  	_ =	shalt  }
0x5b: {  	_ =	shalt  }
0x5c: {  	_ =	shalt  }
0x5d: {  	_ =	shalt  }
0x5e: {  	_ =	shalt  }
0x5f: {  	_ =	shalt  }
0x60: {  	_ =	shalt  }
0x61: {  	_ =	shalt  }
0x62: {  	_ =	shalt  }
0x63: {  	_ =	shalt  }
0x64: {  	_ =	shalt  }
0x65: {  	_ =	shalt  }
0x66: {  	_ =	shalt  }
0x67: {  	_ =	shalt  }
0x68: {  	_ =	shalt  }
0x69: {  	_ =	shalt  }
0x6a: {  	_ =	shalt  }
0x6b: {  	_ =	shalt  }
0x6c: {  	_ =	shalt  }
0x6d: {  	_ =	shalt  }
0x6e: {  	_ =	shalt  }
0x6f: {  	_ =	shalt  }
0x70: {  	_ =	shalt  }
0x71: {  	_ =	shalt  }
0x72: {  	_ =	shalt  }
0x73: {  	_ =	shalt  }
0x74: {  	_ =	shalt  }
0x75: {  	_ =	shalt  }
0x76: {  	_ =	shalt  }
0x77: {  	_ =	shalt  }
0x78: {  	_ =	shalt  }
0x79: {  	_ =	shalt  }
0x7a: {  	_ =	shalt  }
0x7b: {  	_ =	shalt  }
0x7c: {  	_ =	shalt  }
0x7d: {  	_ =	shalt  }
0x7e: {  	_ =	shalt  }
0x7f: {  	_ =	shalt  }
0x80: {  	_ =	shalt  }
0x81: {  	_ =	shalt  }
0x82: {  	_ =	shalt  }
0x83: {  	_ =	shalt  }
0x84: {  	_ =	shalt  }
0x85: {  	_ =	shalt  }
0x86: {  	_ =	shalt  }
0x87: {  	_ =	shalt  }
.Lfunc_end0:
.L_simem_size_0:
called_computation.1_lowered:
.L_overlay_start_0:
0x88: {  	s2 =	sld [smem:$0x3FD9]  }
0x89: {  	s3 =	sld [smem:$0x3FFE];
	_ =	sdelay $0x1  }
0x8a: {  	s1 =	srdreg.scid  }
0x8b: {  	s0 =	sand.u32 $0x1, s1  }
0x8c: {  	s16 =	sshll.u32 s0, $0xA;
	s2 =	sadd.s32 s3, s2  }
0x8d: {  	s2 =	sadd.s32 s2, s16  }
0x8e: {  	[smem:$0x3FC6] =	sst s2  }
0x8f: {  	_ = 	snop  }
0x90: {  	(tm) =	ssettm $0x1  }
0x91: {  	s17 =	sld [smem:$0x3FFB];
	_ =	sdelay $0x3  }
0x92: {  	_ =	strace s17  }
0x93: {  	s2 =	sld [smem:$0x3FFC];
	_ =	sdelay $0x3  }
0x94: {  	_ =	strace s2  }
0x95: {  	s2 =	sld [smem:$0x3FFD];
	_ =	sdelay $0x3  }
0x96: {  	_ =	strace s2  }
0x97: {  	_ =	strace $0x8FFFFFFF  }
0x98: {  	s18 =	sld [smem:$0x3FDB];
	_ =	sdelay $0x1  }
0x99: {  	s19 =	simm.s32 $_scs_section_size  }
0x9a: {  	s4 =	simm.s32 $_size__tile_overlayer_lowered;
	s5 =	simm.s32 $_tile_overlayer_lowered  }
0x9b: {  	s22 =	simm.s32 $0x1BFF;
	s21 =	sshll.u32 s5, $0x1;
	s2 =	sadd.s32 s19, s18  }
0x9c: {  	s6 =	simm.s32 $0x0;
	s20 =	sshll.u32 s4, $0x1;
	s4 =	sadd.s32 s21, s2  }
0x9d: {  	[timem:s6], [sflag:s22] =	dma.local [hbm:s4], s20  }
0x9e: {  	_ =	swait.ge [sflag:s22], s20  }
0x9f: {  	s3 =	ssub.s32 $0x0, s20;
	[sflag:s22] =	ssyncset.done $0x0  }
0xa0: {  	[sflag:s22] =	ssyncadd.s32 s3;
	_ =	sdelay $0x1  }
0xa1: {  	s23 =	simm.s32 $0x1B8B  }
0xa2: {  	_ =	swait.ge [sflag:s23], $0x1  }
0xa3: {  	[sflag:s23] =	ssyncset.done $0x0  }
0xa4: {  	s25 =	simm.s32 $0x1B8E;
	s24 =	sld [smem:$0x3FFE];
	[sflag:s23] =	ssyncadd.s32 $0xFFFFFFFF  }
0xa5: {  	s26 =	simm.s32 $execute0_lowered;
	[smem:$0x3FD2] =	sst s25  }
0xa6: {  	s4 =	sshll.u32 s26, $0x1;
	_ =	strace $0x80000046;
	[dreg:$0x1] =	wrdreg $0xFFFFFFFF  }
0xa7: {  	s28 =	simm.s32 $_size_execute0_lowered;
	s2 =	sadd.s32 s2, s4;
	[dreg:$0x0] =	wrdreg $0x0  }
0xa8: {  	s4 =	sshll.u32 s28, $0x1;
	[dreg:$0x2] =	wrdreg s2  }
0xa9: {  	[dreg:$0x3] =	wrdreg s4  }
0xaa: {  	[dreg:$0x4] =	wrdreg $0xC0  }
0xab: {  	_ =	task [dreg:s6], $0x5FFFF  }
0xac: {  	[dreg:$0x1] =	wrdreg $0xFFFFFFFF  }
0xad: {  	[dreg:$0x0] =	wrdreg $0x60  }
0xae: {  	[dreg:$0x2] =	wrdreg s24  }
0xaf: {  	[dreg:$0x3] =	wrdreg $0xA  }
0xb0: {  	_ =	task.clear_ibuf [dreg:s6], $0x4FFFF;
	_ =	strace $0x90000046  }
0xb1: {  	s29 =	simm.s32 $0xA;
	_ =	strace $0x80000048  }
0xb2: {  	_ =	swait.ge [sflag:s29], $0x1  }
0xb3: {  	[sflag:s29] =	ssyncadd.s32 $0xFFFFFFFF  }
0xb4: {  	_ =	strace $0x90000048  }
0xb5: {  	_ =	sfence  }
0xb6: {  	s30 =	sld [smem:$0x0];
	_ =	sdelay $0x2  }
0xb7: {  	s31 =	sshll.u32 s1, $0xD;
	s1 =	sshrl.u32 s1, $0x2  }
0xb8: {  	s3 =	sand.u32 $0x4000, s31;
	s1 =	sadd.s32 s1, s30  }
0xb9: {  	s0 =	sor.u32 s3, s0;
	s1 =	sshll.u32 s1, $0x11  }
0xba: {  	s0 =	sor.u32 s1, s0  }
0xbb: {  	s0 =	sadd.s32 $0x8F2B, s0  }
0xbc: {  	[sflag:s0] =	ssyncadd.remote.s32 $0x1  }
0xbd: {  	_ =	sfence.sel $0xFFFF  }
0xbe: {  	[dreg:$0x0] =	wrdreg $0xFFFFFFFF;
	(pc) =	sbr.abs _section_cstart, $3  }
0xbf: {  	[dreg:$0x1] =	wrdreg $0xFFFFFFFF  }
0xc0: {  	_ =	task.clear_ibuf [dreg:s6], $0x2FFFF;
	_ =	strace $0x9FFFFFFF  }
0xc1: {  	(tm) =	ssettm $0x7FFFFFFF  }
tec
execute0_lowered:
.L_overlay_start_1:
0x0: {  	(tag) =	ssettag $0x1  }
0x1: {  	s4 =	rddreg [dreg:$0x0]  }
0x2: {  	s0 =	rddreg [dreg:$0x1];
	s2 =	simm.s32 $0x0;
	s3 =	srdreg.scid  }
0x3: {  	s1 =	stileid.u32;
	s9 =	simm.s32 $0x400;
	s10 =	simm.s32 $0x1  }
0x4: {  	s11 =	simm.s32 $0x2000;
	s12 =	simm.s32 $0x4000;
	s13 =	simm.s32 $0x2  }
0x5: {  	s14 =	simm.s32 $0x3;
	s5 =	sand.u32 $0x1, s3;
	s31 =	sshll.u32 s1, $0x1  }
0x6: {  	s15 =	simm.s32 $0x0;
	[smem:$0x7FF] =	sst s2;
	s6 =	sor.u32 s5, s31  }
0x7: {  	s3 =	sadd.s32 $0xC00, s4;
	s5 =	ssub.s32 $0x2, s5;
	s7 =	sshll.u32 s6, $0xA  }
0x8: {  	s8 =	sshrl.u32 s5, $0x1;
	s7 =	sadd.s32 s7, s4;
	s4 =	sshll.u32 s6, $0x11  }
0x9: {  	_ =	strace $0x80000047;
	s8 =	ssub.s32 s5, s8;
	s5 =	sor.u32 $0x10000, s4  }
0xa: {  	v0 =	vimm.f32 $0.0e+00;
	v1 =	vimm.f32 $1.000000000e+00;
	s6 =	sadd.s32 $0x180C00, s7;
	s7 =	smax.u32 s8, $0x1;
	s8 =	simm.s32 $0x80  }
.LBB2_1:
0xb: {  	s16 =	simm.s32 $0x0  }
.LBB2_2:
0xc: {  	s17 =	simm.s32 $0x4040  }
0xd: {  	[tilespmem:s17+$0xFFFFFFC0] =	vst v0  }
0xe: {  	[tilespmem:s17+$0x30] =	vst v0  }
0xf: {  	[tilespmem:s17+$0x20] =	vst v0  }
0x10: {  	[tilespmem:s17+$0x10] =	vst v0  }
0x11: {  	[tilespmem:s17+$0x0] =	vst v0  }
0x12: {  	[tilespmem:s17+$0xFFFFFFF0] =	vst v0  }
0x13: {  	s18 =	simm.s32 $0x0;
	[tilespmem:s17+$0xFFFFFFE0] =	vst v0  }
.LBB2_3:
0x14: {  	s18 =	sadd.s32 $0x8, s18;
	[tilespmem:s17+$0xFFFFFFD0] =	vst v0;
	s17 =	sadd.s32 $0x80, s17  }
0x15: {  	[tilespmem:s17+$0xFFFFFFC0] =	vst v0;
	p0 =	slt.u32 s18, $0x1F8  }
0x16: {  	[tilespmem:s17+$0x30] =	vst v0  }
.Ltmp0:
0x17: {  	[tilespmem:s17+$0x20] =	vst v0;
	(pc) =	sbr.rel @p0 .LBB2_3-.Ltmp0, $4  }
0x18: {  	[tilespmem:s17+$0x10] =	vst v0  }
0x19: {  	[tilespmem:s17+$0x0] =	vst v0  }
0x1a: {  	[tilespmem:s17+$0xFFFFFFF0] =	vst v0  }
0x1b: {  	[tilespmem:s17+$0xFFFFFFE0] =	vst v0  }
0x1c: {  	s18 =	sshll.u32 s16, $0x13  }
0x1d: {  	s19 =	sshll.u32 s16, $0x7;
	s18 =	sand.u32 $0xC00000, s18  }
0x1e: {  	s19 =	sand.u32 $0x380, s19;
	s20 =	sor.u32 s4, s18  }
0x1f: {  	s20 =	sor.u32 s19, s20  }
0x20: {  	s20 =	sshrl.u32 s20, $0x3  }
0x21: {  	[tilespmem:s17+$0xFFFFFFD0] =	vst v0;
	s31 =	sor.u32 s5, s18;
	s30 =	sadd.s32 s3, s20  }
0x22: {  	[tilespmem:s2], [sflag:$0x1] =	stream.strided.gather [hbm4b:s30+s8], $0x2000, s9, s8, $0x38;
	[tilespmem:$0x6000] =	vst v63  }
0x23: {  	s17 =	sor.u32 s19, s31;
	_ =	swait.ge [sflag:s10], $0x2000  }
0x24: {  	s17 =	sshrl.u32 s17, $0x3;
	[sflag:s10] =	ssyncset.done $0x0  }
0x25: {  	s17 =	sadd.s32 s3, s17;
	[sflag:s10] =	ssyncadd.s32 $0xFFFFE000  }
0x26: {  	[tilespmem:s11], [sflag:$0x2] =	stream.strided.gather [hbm4b:s17+s8], $0x2000, s9, s8, $0x38;
	[tilespmem:$0x6000] =	vst v63  }
0x27: {  	s17 =	simm.s32 $0x40  }
0x28: {  	v3 =	vld [tilespmem:s17+$0xFFFFFFC0]  }
0x29: {  	v4 =	vld [tilespmem:s17+$0x30]  }
0x2a: {  	v5 =	vld [tilespmem:s17+$0x20]  }
0x2b: {  	v6 =	vld [tilespmem:s17+$0x10]  }
0x2c: {  	v7 =	vld [tilespmem:s17+$0x0]  }
0x2d: {  	v8 =	vld [tilespmem:s17+$0xFFFFFFF0]  }
0x2e: {  	v9 =	vld [tilespmem:s17+$0xFFFFFFE0]  }
0x2f: {  	v2 =	vld [tilespmem:s17+$0xFFFFFFD0]  }
0x30: {  	[tilespmem:v3+s12+$0x0] =	vst.idx.add.f32.msk $0xffff, v1  }
0x31: {  	[tilespmem:v4+s12+$0x0] =	vst.idx.add.f32.msk $0xffff, v1  }
0x32: {  	[tilespmem:v5+s12+$0x0] =	vst.idx.add.f32.msk $0xffff, v1  }
0x33: {  	[tilespmem:v6+s12+$0x0] =	vst.idx.add.f32.msk $0xffff, v1  }
0x34: {  	[tilespmem:v7+s12+$0x0] =	vst.idx.add.f32.msk $0xffff, v1  }
0x35: {  	[tilespmem:v8+s12+$0x0] =	vst.idx.add.f32.msk $0xffff, v1  }
0x36: {  	s18 =	simm.s32 $0x0;
	[tilespmem:v9+s12+$0x0] =	vst.idx.add.f32.msk $0xffff, v1  }
.LBB2_5:
0x37: {  	s18 =	sadd.s32 $0x8, s18;
	[tilespmem:v2+s12+$0x0] =	vst.idx.add.f32.msk $0xffff, v1;
	s17 =	sadd.s32 $0x80, s17  }
0x38: {  	v3 =	vld [tilespmem:s17+$0xFFFFFFC0];
	p0 =	slt.u32 s18, $0x1F8  }
0x39: {  	v4 =	vld [tilespmem:s17+$0x30]  }
0x3a: {  	v5 =	vld [tilespmem:s17+$0x20]  }
0x3b: {  	v6 =	vld [tilespmem:s17+$0x10]  }
0x3c: {  	v7 =	vld [tilespmem:s17+$0x0]  }
0x3d: {  	v8 =	vld [tilespmem:s17+$0xFFFFFFF0]  }
0x3e: {  	v9 =	vld [tilespmem:s17+$0xFFFFFFE0]  }
0x3f: {  	v2 =	vld [tilespmem:s17+$0xFFFFFFD0]  }
0x40: {  	[tilespmem:v3+s12+$0x0] =	vst.idx.add.f32.msk $0xffff, v1  }
0x41: {  	[tilespmem:v4+s12+$0x0] =	vst.idx.add.f32.msk $0xffff, v1  }
.Ltmp1:
0x42: {  	[tilespmem:v5+s12+$0x0] =	vst.idx.add.f32.msk $0xffff, v1;
	(pc) =	sbr.rel @p0 .LBB2_5-.Ltmp1, $4  }
0x43: {  	[tilespmem:v6+s12+$0x0] =	vst.idx.add.f32.msk $0xffff, v1  }
0x44: {  	[tilespmem:v7+s12+$0x0] =	vst.idx.add.f32.msk $0xffff, v1  }
0x45: {  	[tilespmem:v8+s12+$0x0] =	vst.idx.add.f32.msk $0xffff, v1  }
0x46: {  	[tilespmem:v9+s12+$0x0] =	vst.idx.add.f32.msk $0xffff, v1  }
0x47: {  	_ =	sdelay $0x3  }
0x48: {  	[tilespmem:v2+s12+$0x0] =	vst.idx.add.f32.msk $0xffff, v1  }
0x49: {  	_ =	swait.ge [sflag:s13], $0x2000  }
0x4a: {  	[sflag:s13] =	ssyncset.done $0x0  }
0x4b: {  	s17 =	simm.s32 $0x2040;
	[sflag:s13] =	ssyncadd.s32 $0xFFFFE000  }
0x4c: {  	v3 =	vld [tilespmem:s17+$0xFFFFFFC0]  }
0x4d: {  	v4 =	vld [tilespmem:s17+$0x30]  }
0x4e: {  	v5 =	vld [tilespmem:s17+$0x20]  }
0x4f: {  	v6 =	vld [tilespmem:s17+$0x10]  }
0x50: {  	v7 =	vld [tilespmem:s17+$0x0]  }
0x51: {  	v8 =	vld [tilespmem:s17+$0xFFFFFFF0]  }
0x52: {  	v9 =	vld [tilespmem:s17+$0xFFFFFFE0]  }
0x53: {  	v2 =	vld [tilespmem:s17+$0xFFFFFFD0]  }
0x54: {  	[tilespmem:v3+s12+$0x0] =	vst.idx.add.f32.msk $0xffff, v1  }
0x55: {  	[tilespmem:v4+s12+$0x0] =	vst.idx.add.f32.msk $0xffff, v1  }
0x56: {  	[tilespmem:v5+s12+$0x0] =	vst.idx.add.f32.msk $0xffff, v1  }
0x57: {  	[tilespmem:v6+s12+$0x0] =	vst.idx.add.f32.msk $0xffff, v1  }
0x58: {  	[tilespmem:v7+s12+$0x0] =	vst.idx.add.f32.msk $0xffff, v1  }
0x59: {  	[tilespmem:v8+s12+$0x0] =	vst.idx.add.f32.msk $0xffff, v1  }
0x5a: {  	s18 =	simm.s32 $0x0;
	[tilespmem:v9+s12+$0x0] =	vst.idx.add.f32.msk $0xffff, v1  }
.LBB2_7:
0x5b: {  	s18 =	sadd.s32 $0x8, s18;
	[tilespmem:v2+s12+$0x0] =	vst.idx.add.f32.msk $0xffff, v1;
	s17 =	sadd.s32 $0x80, s17  }
0x5c: {  	v3 =	vld [tilespmem:s17+$0xFFFFFFC0];
	p0 =	slt.u32 s18, $0x1F8  }
0x5d: {  	v4 =	vld [tilespmem:s17+$0x30]  }
0x5e: {  	v5 =	vld [tilespmem:s17+$0x20]  }
0x5f: {  	v6 =	vld [tilespmem:s17+$0x10]  }
0x60: {  	v7 =	vld [tilespmem:s17+$0x0]  }
0x61: {  	v8 =	vld [tilespmem:s17+$0xFFFFFFF0]  }
0x62: {  	v9 =	vld [tilespmem:s17+$0xFFFFFFE0]  }
0x63: {  	v2 =	vld [tilespmem:s17+$0xFFFFFFD0]  }
0x64: {  	[tilespmem:v3+s12+$0x0] =	vst.idx.add.f32.msk $0xffff, v1  }
0x65: {  	[tilespmem:v4+s12+$0x0] =	vst.idx.add.f32.msk $0xffff, v1  }
.Ltmp2:
0x66: {  	[tilespmem:v5+s12+$0x0] =	vst.idx.add.f32.msk $0xffff, v1;
	(pc) =	sbr.rel @p0 .LBB2_7-.Ltmp2, $4  }
0x67: {  	[tilespmem:v6+s12+$0x0] =	vst.idx.add.f32.msk $0xffff, v1  }
0x68: {  	[tilespmem:v7+s12+$0x0] =	vst.idx.add.f32.msk $0xffff, v1  }
0x69: {  	[tilespmem:v8+s12+$0x0] =	vst.idx.add.f32.msk $0xffff, v1  }
0x6a: {  	[tilespmem:v9+s12+$0x0] =	vst.idx.add.f32.msk $0xffff, v1  }
0x6b: {  	_ =	sdelay $0x1  }
0x6c: {  	s17 =	sshll.u32 s16, $0xF;
	s16 =	sadd.s32 $0x1, s16  }
0x6d: {  	p0 =	sne.s32 s16, $0x13  }
.Ltmp3:
0x6e: {  	[tilespmem:v2+s12+$0x0] =	vst.idx.add.f32.msk $0xffff, v1;
	s17 =	sadd.s32 s17, s6;
	(pc) =	sbr.rel @p0 .LBB2_2-.Ltmp3, $4  }
0x6f: {  	[hbm4b:s17+s2] =	stream.linear.scatter [tilespmem:s12], [sflag:$0x3], $0x2000, $0x38;
	[tilespmem:$0x6000] =	vst v63  }
0x70: {  	_ =	swait.ge [sflag:s14], $0x2000  }
0x71: {  	[sflag:s14] =	ssyncset.done $0x0  }
0x72: {  	[sflag:s14] =	ssyncadd.s32 $0xFFFFE000  }
0x73: {  	s15 =	sadd.s32 $0x1, s15  }
0x74: {  	p0 =	sne.s32 s15, s7  }
.Ltmp4:
0x75: {  	_ = 	snop;
	(pc) =	sbr.rel @p0 .LBB2_1-.Ltmp4, $1  }
0x76: {  	_ =	sdelay $0x3  }
0x77: {  	_ =	sfence.sel $0x180000  }
0x78: {  	[bflag:$0x0] =	sbarrier.arrive $0xFFFF  }
0x79: {  	p0 =	sne.s32 s1, $0x0;
	_ =	strace $0x90000047  }
0x7a: {  	s0 =	sadd.s32 @!p0 $0x100000, s0;
	[bflag:$0x2] =	sbarrier.arrive $0xFFFF  }
0x7b: {  	[sflag:s0] =	ssyncadd.tile.s32 @!p0 $0x1;
	_ =	shalt  }
.Lfunc_end2:
_tile_overlayer_lowered:
.L_overlay_start_2:
0x7c: {  	(tag) =	ssettag $0x2  }
0x7d: {  	s0 =	rddreg [dreg:$0x0];
	s2 =	stileid.u32  }
0x7e: {  	s1 =	rddreg [dreg:$0x1];
	p0 =	sne.s32 s2, $0x0  }
0x7f: {  	s3 =	rddreg [dreg:$0x2];
	[bflag:$0x3] =	sbarrier.arrive $0xFFFF;
	s2 =	simm.s32 @!p0 $0x1C03  }
0x80: {  	[timem:s3], [sflag:s2] =	dma.local @!p0 [hbm:s0], s1  }
0x81: {  	s0 =	simm.s32 @!p0 $0x3  }
0x82: {  	_ =	swait.ge @!p0 [sflag:s0], s1  }
0x83: {  	s1 =	ssub.s32 @!p0 $0x0, s1;
	[sflag:s0] =	ssyncset.done @!p0 $0x0  }
0x84: {  	[sflag:s0] =	ssyncadd.s32 @!p0 s1  }
0x85: {  	[bflag:$0x3] =	sbarrier.arrive $0xFFFF  }
0x86: {  	_ =	shalt  }

// kernel: kernel.7.cloned.1.call-start
scs
__scs_entry_jumppad:
0x0: {  	(pc) =	sbr.rel $0x88, $3  }
0x1: {  	(tag) =	ssettag $0x0;
	lr =	simm.s32 $0x1  }
0x2: {  	[smem:$0x3F9F] =	sst lr;
	_ =	strace $0xD0000000  }
0x3: {  	_ = 	snop  }
0x4: {  	_ = 	snop  }
0x5: {  	_ = 	snop  }
0x6: {  	_ = 	snop  }
0x7: {  	_ = 	snop  }
__scs_overlays_trampoline_lowered:
0x8: {  	[smem:$0x3FAE] =	sst s0  }
0x9: {  	[smem:$0x3FAF] =	sst s1  }
0xa: {  	[smem:$0x3FB0] =	sst s2  }
0xb: {  	[smem:$0x3FB1] =	sst s3  }
0xc: {  	[smem:$0x3FB2] =	sst s4  }
0xd: {  	[smem:$0x3FB3] =	sst s5  }
0xe: {  	[smem:$0x3FB4] =	sst s6  }
0xf: {  	[smem:$0x3FB5] =	sst s7  }
0x10: {  	[smem:$0x3FB6] =	sst s8  }
0x11: {  	[smem:$0x3FB7] =	sst s9;
	s0 =	simm.s32 @!p0 $0x0  }
0x12: {  	s1 =	sld [smem:$0x3F9D];
	s0 =	simm.s32 @p0 $0x1  }
0x13: {  	[smem:$0x3FB8] =	sst s0;
	s0 =	simm.s32 @!p1 $0x0  }
0x14: {  	s2 =	sld [smem:$0x3F9C];
	s0 =	simm.s32 @p1 $0x1  }
0x15: {  	[smem:$0x3FB9] =	sst s0;
	s0 =	simm.s32 @!p2 $0x0  }
0x16: {  	s3 =	sld [smem:$0x3FDB];
	s0 =	simm.s32 @p2 $0x1  }
0x17: {  	s4 =	simm.s32 $0x1BF5;
	[smem:$0x3FBB] =	sst s0  }
0x18: {  	s0 =	sld [smem:$0x3F9E];
	_ =	swait.ge [sflag:s4], $0x0  }
0x19: {  	s7 =	sld [smem:$0x3F9F]  }
0x1a: {  	s8 =	sadd.s32 $0xFFFFE003, lr  }
0x1b: {  	s9 =	sadd.s32 $0xFFFFFEF7, lr;
	s5 =	simm.s32 $0xFFFFFFFF;
	p2 =	slt.u32 s8, $0xFFFFF086  }
0x1c: {  	p1 =	slt.u32 s9, $0xF7A;
	s5 =	simm.s32 @!p2 $0x0  }
0x1d: {  	s5 =	simm.s32 @p1 $0x1;
	p0 =	seq.s32 s7, s2  }
0x1e: {  	s7 =	smul.u32 @!p0 $0xF7A, s2;
	p2 =	seq.s32 @!p0 s5, $0x0  }
0x1f: {  	s9 =	smul.u32 $0xF7A, s1;
	s8 =	simm.s32 @!p0 $0x1BF5;
	p2 =	por !p2, p0  }
0x20: {  	[sflag:s8] =	ssyncset.s32 @!p0 $0xFFFFF086;
	s6 =	sadd.s32 @!p0 s3, s7;
	s7 =	simm.s32 @!p0 $0x108  }
0x21: {  	s3 =	sadd.s32 s3, s9;
	s6 =	sadd.s32 @!p0 $0x88, s6;
	s7 =	simm.s32 @p2 $0x1082  }
0x22: {  	[simem:s7], [sflag:s8] =	dma.local @!p0 [hbm:s6], $0xF7A  }
0x23: {  	s9 =	sor.u32 $0xD0000000, s2;
	s6 =	simm.s32 $0x108;
	_ =	swait.ge @!p0 [sflag:s8], $0x0  }
0x24: {  	s3 =	sadd.s32 $0x88, s3;
	s6 =	simm.s32 @!p1 $0x1082;
	[sflag:s4] =	ssyncset.s32 $0xFFFFF086  }
0x25: {  	[simem:s6], [sflag:s4] =	dma.local [hbm:s3], $0xF7A  }
0x26: {  	[smem:$0x3F9F] =	sst s1;
	(tag) =	ssettag s2;
	_ =	strace s9  }
0x27: {  	s1 =	sld [smem:$0x3FAF]  }
0x28: {  	s2 =	sld [smem:$0x3FB0]  }
0x29: {  	s4 =	sld [smem:$0x3FB2]  }
0x2a: {  	p0 =	seq.s32 s5, $0x0;
	s5 =	sld [smem:$0x3FB3]  }
0x2b: {  	s6 =	sld [smem:$0x3FB4]  }
0x2c: {  	s7 =	sld [smem:$0x3FB5]  }
0x2d: {  	s3 =	simm.s32 $0x108;
	s8 =	sld [smem:$0x3FB6]  }
0x2e: {  	s3 =	simm.s32 @!p0 $0x1082;
	s9 =	sld [smem:$0x3FB7]  }
0x2f: {  	lr =	sadd.s32 s0, s3;
	s0 =	sld [smem:$0x3FAE]  }
0x30: {  	s3 =	sld [smem:$0x3FB1]  }
0x31: {  	[smem:$0x3FBA] =	sst s10  }
0x32: {  	s10 =	sld [smem:$0x3FB8];
	_ =	sdelay $0x3  }
0x33: {  	p0 =	seq.s32 s10, $0x1;
	s10 =	sld [smem:$0x3FBA];
	_ =	sdelay $0x3  }
0x34: {  	[smem:$0x3FBA] =	sst s10  }
0x35: {  	s10 =	sld [smem:$0x3FB9];
	_ =	sdelay $0x3  }
0x36: {  	p1 =	seq.s32 s10, $0x1;
	s10 =	sld [smem:$0x3FBA];
	_ =	sdelay $0x3  }
0x37: {  	[smem:$0x3FBA] =	sst s10  }
0x38: {  	s10 =	sld [smem:$0x3FBB]  }
0x39: {  	_ = 	snop;
	(pc) =	sbr.ind lr, $3  }
0x3a: {  	_ = 	snop  }
0x3b: {  	_ = 	snop  }
0x3c: {  	p2 =	seq.s32 s10, $0x1;
	s10 =	sld [smem:$0x3FBA]  }
0x3d: {  	_ =	shalt  }
0x3e: {  	_ =	shalt  }
0x3f: {  	_ =	shalt  }
0x40: {  	_ =	shalt  }
0x41: {  	_ =	shalt  }
0x42: {  	_ =	shalt  }
0x43: {  	_ =	shalt  }
0x44: {  	_ =	shalt  }
0x45: {  	_ =	shalt  }
0x46: {  	_ =	shalt  }
0x47: {  	_ =	shalt  }
0x48: {  	_ =	shalt  }
0x49: {  	_ =	shalt  }
0x4a: {  	_ =	shalt  }
0x4b: {  	_ =	shalt  }
0x4c: {  	_ =	shalt  }
0x4d: {  	_ =	shalt  }
0x4e: {  	_ =	shalt  }
0x4f: {  	_ =	shalt  }
0x50: {  	_ =	shalt  }
0x51: {  	_ =	shalt  }
0x52: {  	_ =	shalt  }
0x53: {  	_ =	shalt  }
0x54: {  	_ =	shalt  }
0x55: {  	_ =	shalt  }
0x56: {  	_ =	shalt  }
0x57: {  	_ =	shalt  }
0x58: {  	_ =	shalt  }
0x59: {  	_ =	shalt  }
0x5a: {  	_ =	shalt  }
0x5b: {  	_ =	shalt  }
0x5c: {  	_ =	shalt  }
0x5d: {  	_ =	shalt  }
0x5e: {  	_ =	shalt  }
0x5f: {  	_ =	shalt  }
0x60: {  	_ =	shalt  }
0x61: {  	_ =	shalt  }
0x62: {  	_ =	shalt  }
0x63: {  	_ =	shalt  }
0x64: {  	_ =	shalt  }
0x65: {  	_ =	shalt  }
0x66: {  	_ =	shalt  }
0x67: {  	_ =	shalt  }
0x68: {  	_ =	shalt  }
0x69: {  	_ =	shalt  }
0x6a: {  	_ =	shalt  }
0x6b: {  	_ =	shalt  }
0x6c: {  	_ =	shalt  }
0x6d: {  	_ =	shalt  }
0x6e: {  	_ =	shalt  }
0x6f: {  	_ =	shalt  }
0x70: {  	_ =	shalt  }
0x71: {  	_ =	shalt  }
0x72: {  	_ =	shalt  }
0x73: {  	_ =	shalt  }
0x74: {  	_ =	shalt  }
0x75: {  	_ =	shalt  }
0x76: {  	_ =	shalt  }
0x77: {  	_ =	shalt  }
0x78: {  	_ =	shalt  }
0x79: {  	_ =	shalt  }
0x7a: {  	_ =	shalt  }
0x7b: {  	_ =	shalt  }
0x7c: {  	_ =	shalt  }
0x7d: {  	_ =	shalt  }
0x7e: {  	_ =	shalt  }
0x7f: {  	_ =	shalt  }
0x80: {  	_ =	shalt  }
0x81: {  	_ =	shalt  }
0x82: {  	_ =	shalt  }
0x83: {  	_ =	shalt  }
0x84: {  	_ =	shalt  }
0x85: {  	_ =	shalt  }
0x86: {  	_ =	shalt  }
0x87: {  	_ =	shalt  }
.Lfunc_end0:
.L_simem_size_0:
called_computation_lowered:
.L_overlay_start_0:
0x88: {  	s2 =	sld [smem:$0x3FD9]  }
0x89: {  	s3 =	sld [smem:$0x3FFE];
	_ =	sdelay $0x1  }
0x8a: {  	s1 =	srdreg.scid  }
0x8b: {  	s0 =	sand.u32 $0x1, s1  }
0x8c: {  	s17 =	sshll.u32 s0, $0xA;
	s2 =	sadd.s32 s3, s2  }
0x8d: {  	s2 =	sadd.s32 s2, s17  }
0x8e: {  	[smem:$0x3FC6] =	sst s2  }
0x8f: {  	_ = 	snop  }
0x90: {  	(tm) =	ssettm $0x1  }
0x91: {  	s18 =	sld [smem:$0x3FFB];
	_ =	sdelay $0x3  }
0x92: {  	_ =	strace s18  }
0x93: {  	s2 =	sld [smem:$0x3FFC];
	_ =	sdelay $0x3  }
0x94: {  	_ =	strace s2  }
0x95: {  	s2 =	sld [smem:$0x3FFD];
	_ =	sdelay $0x3  }
0x96: {  	_ =	strace s2  }
0x97: {  	_ =	strace $0x8FFFFFFF  }
0x98: {  	s19 =	sld [smem:$0x3FDB];
	_ =	sdelay $0x1  }
0x99: {  	s20 =	simm.s32 $_scs_section_size  }
0x9a: {  	s4 =	simm.s32 $_size__tile_overlayer_lowered;
	s5 =	simm.s32 $_tile_overlayer_lowered  }
0x9b: {  	s6 =	simm.s32 $0x1BFF;
	s21 =	sshll.u32 s5, $0x1;
	s3 =	sadd.s32 s20, s19  }
0x9c: {  	s22 =	simm.s32 $0x0;
	s4 =	sshll.u32 s4, $0x1;
	s5 =	sadd.s32 s21, s3  }
0x9d: {  	[timem:s22], [sflag:s6] =	dma.local [hbm:s5], s4  }
0x9e: {  	_ =	swait.ge [sflag:s6], s4  }
0x9f: {  	s4 =	ssub.s32 $0x0, s4;
	[sflag:s6] =	ssyncset.done $0x0  }
0xa0: {  	[sflag:s6] =	ssyncadd.s32 s4;
	_ =	sdelay $0x1  }
0xa1: {  	s23 =	simm.s32 $0x1B8B  }
0xa2: {  	_ =	swait.ge [sflag:s23], $0x1  }
0xa3: {  	[sflag:s23] =	ssyncset.done $0x0  }
0xa4: {  	[sflag:s23] =	ssyncadd.s32 $0xFFFFFFFF  }
0xa5: {  	s4 =	sld [smem:$0x0]  }
0xa6: {  	s5 =	sand.u32 $0xFFFFFFFE, s1  }
0xa7: {  	p0 =	sne.s32 s1, s5  }
0xa8: {  	s5 =	sshll.u32 @p0 s5, $0xE  }
0xa9: {  	s5 =	sadd.s32 @p0 $0x11B8D, s5;
	s6 =	sshll.u32 @p0 s4, $0x11  }
0xaa: {  	s5 =	sor.u32 @p0 s6, s5  }
0xab: {  	[sflag:s5] =	ssyncadd.remote.s32 @p0 $0x1;
	_ =	sdelay $0x1  }
0xac: {  	s5 =	simm.s32 @p0 $0x1B8D  }
0xad: {  	_ =	swait.eq @p0 [sflag:s5], $0x1  }
0xae: {  	[sflag:s5] =	ssyncadd.s32 @p0 $0xFFFFFFFF  }
0xaf: {  	s6 =	sshll.u32 @!p0 s1, $0xE  }
0xb0: {  	s6 =	sor.u32 @!p0 $0x4000, s6;
	s5 =	simm.s32 @!p0 $0x1B8D  }
0xb1: {  	s4 =	sshll.u32 @!p0 s4, $0x11;
	s6 =	sadd.s32 @!p0 $0x11B8D, s6;
	_ =	swait.eq @!p0 [sflag:s5], $0x1  }
0xb2: {  	s4 =	sor.u32 @!p0 s4, s6;
	[sflag:s5] =	ssyncadd.s32 @!p0 $0xFFFFFFFF  }
0xb3: {  	s25 =	simm.s32 $0x1B8E;
	s24 =	sld [smem:$0x3FFE];
	[sflag:s4] =	ssyncadd.remote.s32 @!p0 $0x1  }
0xb4: {  	s26 =	simm.s32 $execute0_lowered;
	[smem:$0x3FD2] =	sst s25  }
0xb5: {  	s5 =	sshll.u32 s26, $0x1;
	_ =	strace $0x80000049;
	[dreg:$0x1] =	wrdreg $0xFFFFFFFF  }
0xb6: {  	s28 =	simm.s32 $_size_execute0_lowered;
	s3 =	sadd.s32 s3, s5;
	[dreg:$0x0] =	wrdreg $0x0  }
0xb7: {  	s5 =	sshll.u32 s28, $0x1;
	[dreg:$0x2] =	wrdreg s3  }
0xb8: {  	[dreg:$0x3] =	wrdreg s5  }
0xb9: {  	[dreg:$0x4] =	wrdreg $0xC0  }
0xba: {  	_ =	task [dreg:s22], $0x5FFFF  }
0xbb: {  	[dreg:$0x1] =	wrdreg $0xFFFFFFFF  }
0xbc: {  	[dreg:$0x0] =	wrdreg $0x60  }
0xbd: {  	[dreg:$0x2] =	wrdreg s24  }
0xbe: {  	[dreg:$0x3] =	wrdreg $0x9  }
0xbf: {  	_ =	task.clear_ibuf [dreg:s22], $0x4FFFF;
	_ =	strace $0x90000049  }
0xc0: {  	s29 =	simm.s32 $0x9;
	_ =	strace $0x8000004B  }
0xc1: {  	_ =	swait.ge [sflag:s29], $0x1  }
0xc2: {  	[sflag:s29] =	ssyncadd.s32 $0xFFFFFFFF  }
0xc3: {  	_ =	strace $0x9000004B  }
0xc4: {  	_ =	sfence  }
0xc5: {  	s30 =	sld [smem:$0x0];
	_ =	sdelay $0x2  }
0xc6: {  	s31 =	sshll.u32 s1, $0xD;
	s1 =	sshrl.u32 s1, $0x2  }
0xc7: {  	s4 =	sand.u32 $0x4000, s31;
	s1 =	sadd.s32 s1, s30  }
0xc8: {  	s0 =	sor.u32 s4, s0;
	s1 =	sshll.u32 s1, $0x11  }
0xc9: {  	s0 =	sor.u32 s1, s0  }
0xca: {  	s0 =	sadd.s32 $0x8F2B, s0  }
0xcb: {  	[sflag:s0] =	ssyncadd.remote.s32 $0x1  }
0xcc: {  	_ =	sfence.sel $0xFFFF  }
0xcd: {  	[dreg:$0x0] =	wrdreg $0xFFFFFFFF;
	(pc) =	sbr.abs _section_cstart, $3  }
0xce: {  	[dreg:$0x1] =	wrdreg $0xFFFFFFFF  }
0xcf: {  	_ =	task.clear_ibuf [dreg:s22], $0x2FFFF;
	_ =	strace $0x9FFFFFFF  }
0xd0: {  	(tm) =	ssettm $0x7FFFFFFF  }
0xd1: {  	_ =	shalt  }
tec
execute0_lowered:
.L_overlay_start_1:
0x0: {  	(tag) =	ssettag $0x1  }
0x1: {  	s4 =	rddreg [dreg:$0x0]  }
0x2: {  	s0 =	rddreg [dreg:$0x1];
	s2 =	simm.s32 $0x0;
	s3 =	srdreg.scid  }
0x3: {  	s1 =	stileid.u32;
	s9 =	simm.s32 $0x400;
	s10 =	simm.s32 $0x1  }
0x4: {  	s11 =	simm.s32 $0x2000;
	s12 =	simm.s32 $0x4000;
	s13 =	simm.s32 $0x2  }
0x5: {  	s14 =	simm.s32 $0x3;
	s5 =	sand.u32 $0x1, s3;
	s31 =	sshll.u32 s1, $0x1  }
0x6: {  	s15 =	simm.s32 $0x0;
	[smem:$0x7FF] =	sst s2;
	s6 =	sor.u32 s5, s31  }
0x7: {  	s3 =	sadd.s32 $0x218C00, s4;
	s5 =	ssub.s32 $0x2, s5;
	s7 =	sshll.u32 s6, $0xA  }
0x8: {  	s8 =	sshrl.u32 s5, $0x1;
	s7 =	sadd.s32 s7, s4;
	s4 =	sshll.u32 s6, $0x11  }
0x9: {  	_ =	strace $0x8000004A;
	s8 =	ssub.s32 s5, s8;
	s5 =	sor.u32 $0x10000, s4  }
0xa: {  	v0 =	vimm.f32 $0.0e+00;
	v1 =	vimm.f32 $1.000000000e+00;
	s6 =	sadd.s32 $0x398C00, s7;
	s7 =	smax.u32 s8, $0x1;
	s8 =	simm.s32 $0x80  }
.LBB2_1:
0xb: {  	s16 =	simm.s32 $0x0  }
.LBB2_2:
0xc: {  	s17 =	simm.s32 $0x4040  }
0xd: {  	[tilespmem:s17+$0xFFFFFFC0] =	vst v0  }
0xe: {  	[tilespmem:s17+$0x30] =	vst v0  }
0xf: {  	[tilespmem:s17+$0x20] =	vst v0  }
0x10: {  	[tilespmem:s17+$0x10] =	vst v0  }
0x11: {  	[tilespmem:s17+$0x0] =	vst v0  }
0x12: {  	[tilespmem:s17+$0xFFFFFFF0] =	vst v0  }
0x13: {  	s18 =	simm.s32 $0x0;
	[tilespmem:s17+$0xFFFFFFE0] =	vst v0  }
.LBB2_3:
0x14: {  	s18 =	sadd.s32 $0x8, s18;
	[tilespmem:s17+$0xFFFFFFD0] =	vst v0;
	s17 =	sadd.s32 $0x80, s17  }
0x15: {  	[tilespmem:s17+$0xFFFFFFC0] =	vst v0;
	p0 =	slt.u32 s18, $0x1F8  }
0x16: {  	[tilespmem:s17+$0x30] =	vst v0  }
.Ltmp0:
0x17: {  	[tilespmem:s17+$0x20] =	vst v0;
	(pc) =	sbr.rel @p0 .LBB2_3-.Ltmp0, $4  }
0x18: {  	[tilespmem:s17+$0x10] =	vst v0  }
0x19: {  	[tilespmem:s17+$0x0] =	vst v0  }
0x1a: {  	[tilespmem:s17+$0xFFFFFFF0] =	vst v0  }
0x1b: {  	[tilespmem:s17+$0xFFFFFFE0] =	vst v0  }
0x1c: {  	s18 =	sshll.u32 s16, $0x13  }
0x1d: {  	s19 =	sshll.u32 s16, $0x7;
	s18 =	sand.u32 $0xC00000, s18  }
0x1e: {  	s19 =	sand.u32 $0x380, s19;
	s20 =	sor.u32 s4, s18  }
0x1f: {  	s20 =	sor.u32 s19, s20  }
0x20: {  	s20 =	sshrl.u32 s20, $0x3  }
0x21: {  	[tilespmem:s17+$0xFFFFFFD0] =	vst v0;
	s31 =	sor.u32 s5, s18;
	s30 =	sadd.s32 s3, s20  }
0x22: {  	[tilespmem:s2], [sflag:$0x1] =	stream.strided.gather [hbm4b:s30+s8], $0x2000, s9, s8, $0x38;
	[tilespmem:$0x6000] =	vst v63  }
0x23: {  	s17 =	sor.u32 s19, s31;
	_ =	swait.ge [sflag:s10], $0x2000  }
0x24: {  	s17 =	sshrl.u32 s17, $0x3;
	[sflag:s10] =	ssyncset.done $0x0  }
0x25: {  	s17 =	sadd.s32 s3, s17;
	[sflag:s10] =	ssyncadd.s32 $0xFFFFE000  }
0x26: {  	[tilespmem:s11], [sflag:$0x2] =	stream.strided.gather [hbm4b:s17+s8], $0x2000, s9, s8, $0x38;
	[tilespmem:$0x6000] =	vst v63  }
0x27: {  	s17 =	simm.s32 $0x40  }
0x28: {  	v3 =	vld [tilespmem:s17+$0xFFFFFFC0]  }
0x29: {  	v4 =	vld [tilespmem:s17+$0x30]  }
0x2a: {  	v5 =	vld [tilespmem:s17+$0x20]  }
0x2b: {  	v6 =	vld [tilespmem:s17+$0x10]  }
0x2c: {  	v7 =	vld [tilespmem:s17+$0x0]  }
0x2d: {  	v8 =	vld [tilespmem:s17+$0xFFFFFFF0]  }
0x2e: {  	v9 =	vld [tilespmem:s17+$0xFFFFFFE0]  }
0x2f: {  	v2 =	vld [tilespmem:s17+$0xFFFFFFD0]  }
0x30: {  	[tilespmem:v3+s12+$0x0] =	vst.idx.add.f32.msk $0xffff, v1  }
0x31: {  	[tilespmem:v4+s12+$0x0] =	vst.idx.add.f32.msk $0xffff, v1  }
0x32: {  	[tilespmem:v5+s12+$0x0] =	vst.idx.add.f32.msk $0xffff, v1  }
0x33: {  	[tilespmem:v6+s12+$0x0] =	vst.idx.add.f32.msk $0xffff, v1  }
0x34: {  	[tilespmem:v7+s12+$0x0] =	vst.idx.add.f32.msk $0xffff, v1  }
0x35: {  	[tilespmem:v8+s12+$0x0] =	vst.idx.add.f32.msk $0xffff, v1  }
0x36: {  	s18 =	simm.s32 $0x0;
	[tilespmem:v9+s12+$0x0] =	vst.idx.add.f32.msk $0xffff, v1  }
.LBB2_5:
0x37: {  	s18 =	sadd.s32 $0x8, s18;
	[tilespmem:v2+s12+$0x0] =	vst.idx.add.f32.msk $0xffff, v1;
	s17 =	sadd.s32 $0x80, s17  }
0x38: {  	v3 =	vld [tilespmem:s17+$0xFFFFFFC0];
	p0 =	slt.u32 s18, $0x1F8  }
0x39: {  	v4 =	vld [tilespmem:s17+$0x30]  }
0x3a: {  	v5 =	vld [tilespmem:s17+$0x20]  }
0x3b: {  	v6 =	vld [tilespmem:s17+$0x10]  }
0x3c: {  	v7 =	vld [tilespmem:s17+$0x0]  }
0x3d: {  	v8 =	vld [tilespmem:s17+$0xFFFFFFF0]  }
0x3e: {  	v9 =	vld [tilespmem:s17+$0xFFFFFFE0]  }
0x3f: {  	v2 =	vld [tilespmem:s17+$0xFFFFFFD0]  }
0x40: {  	[tilespmem:v3+s12+$0x0] =	vst.idx.add.f32.msk $0xffff, v1  }
0x41: {  	[tilespmem:v4+s12+$0x0] =	vst.idx.add.f32.msk $0xffff, v1  }
.Ltmp1:
0x42: {  	[tilespmem:v5+s12+$0x0] =	vst.idx.add.f32.msk $0xffff, v1;
	(pc) =	sbr.rel @p0 .LBB2_5-.Ltmp1, $4  }
0x43: {  	[tilespmem:v6+s12+$0x0] =	vst.idx.add.f32.msk $0xffff, v1  }
0x44: {  	[tilespmem:v7+s12+$0x0] =	vst.idx.add.f32.msk $0xffff, v1  }
0x45: {  	[tilespmem:v8+s12+$0x0] =	vst.idx.add.f32.msk $0xffff, v1  }
0x46: {  	[tilespmem:v9+s12+$0x0] =	vst.idx.add.f32.msk $0xffff, v1  }
0x47: {  	_ =	sdelay $0x3  }
0x48: {  	[tilespmem:v2+s12+$0x0] =	vst.idx.add.f32.msk $0xffff, v1  }
0x49: {  	_ =	swait.ge [sflag:s13], $0x2000  }
0x4a: {  	[sflag:s13] =	ssyncset.done $0x0  }
0x4b: {  	s17 =	simm.s32 $0x2040;
	[sflag:s13] =	ssyncadd.s32 $0xFFFFE000  }
0x4c: {  	v3 =	vld [tilespmem:s17+$0xFFFFFFC0]  }
0x4d: {  	v4 =	vld [tilespmem:s17+$0x30]  }
0x4e: {  	v5 =	vld [tilespmem:s17+$0x20]  }
0x4f: {  	v6 =	vld [tilespmem:s17+$0x10]  }
0x50: {  	v7 =	vld [tilespmem:s17+$0x0]  }
0x51: {  	v8 =	vld [tilespmem:s17+$0xFFFFFFF0]  }
0x52: {  	v9 =	vld [tilespmem:s17+$0xFFFFFFE0]  }
0x53: {  	v2 =	vld [tilespmem:s17+$0xFFFFFFD0]  }
0x54: {  	[tilespmem:v3+s12+$0x0] =	vst.idx.add.f32.msk $0xffff, v1  }
0x55: {  	[tilespmem:v4+s12+$0x0] =	vst.idx.add.f32.msk $0xffff, v1  }
0x56: {  	[tilespmem:v5+s12+$0x0] =	vst.idx.add.f32.msk $0xffff, v1  }
0x57: {  	[tilespmem:v6+s12+$0x0] =	vst.idx.add.f32.msk $0xffff, v1  }
0x58: {  	[tilespmem:v7+s12+$0x0] =	vst.idx.add.f32.msk $0xffff, v1  }
0x59: {  	[tilespmem:v8+s12+$0x0] =	vst.idx.add.f32.msk $0xffff, v1  }
0x5a: {  	s18 =	simm.s32 $0x0;
	[tilespmem:v9+s12+$0x0] =	vst.idx.add.f32.msk $0xffff, v1  }
.LBB2_7:
0x5b: {  	s18 =	sadd.s32 $0x8, s18;
	[tilespmem:v2+s12+$0x0] =	vst.idx.add.f32.msk $0xffff, v1;
	s17 =	sadd.s32 $0x80, s17  }
0x5c: {  	v3 =	vld [tilespmem:s17+$0xFFFFFFC0];
	p0 =	slt.u32 s18, $0x1F8  }
0x5d: {  	v4 =	vld [tilespmem:s17+$0x30]  }
0x5e: {  	v5 =	vld [tilespmem:s17+$0x20]  }
0x5f: {  	v6 =	vld [tilespmem:s17+$0x10]  }
0x60: {  	v7 =	vld [tilespmem:s17+$0x0]  }
0x61: {  	v8 =	vld [tilespmem:s17+$0xFFFFFFF0]  }
0x62: {  	v9 =	vld [tilespmem:s17+$0xFFFFFFE0]  }
0x63: {  	v2 =	vld [tilespmem:s17+$0xFFFFFFD0]  }
0x64: {  	[tilespmem:v3+s12+$0x0] =	vst.idx.add.f32.msk $0xffff, v1  }
0x65: {  	[tilespmem:v4+s12+$0x0] =	vst.idx.add.f32.msk $0xffff, v1  }
.Ltmp2:
0x66: {  	[tilespmem:v5+s12+$0x0] =	vst.idx.add.f32.msk $0xffff, v1;
	(pc) =	sbr.rel @p0 .LBB2_7-.Ltmp2, $4  }
0x67: {  	[tilespmem:v6+s12+$0x0] =	vst.idx.add.f32.msk $0xffff, v1  }
0x68: {  	[tilespmem:v7+s12+$0x0] =	vst.idx.add.f32.msk $0xffff, v1  }
0x69: {  	[tilespmem:v8+s12+$0x0] =	vst.idx.add.f32.msk $0xffff, v1  }
0x6a: {  	[tilespmem:v9+s12+$0x0] =	vst.idx.add.f32.msk $0xffff, v1  }
0x6b: {  	_ =	sdelay $0x1  }
0x6c: {  	s17 =	sshll.u32 s16, $0xF;
	s16 =	sadd.s32 $0x1, s16  }
0x6d: {  	p0 =	sne.s32 s16, $0x13  }
.Ltmp3:
0x6e: {  	[tilespmem:v2+s12+$0x0] =	vst.idx.add.f32.msk $0xffff, v1;
	s17 =	sadd.s32 s17, s6;
	(pc) =	sbr.rel @p0 .LBB2_2-.Ltmp3, $4  }
0x6f: {  	[hbm4b:s17+s2] =	stream.linear.scatter [tilespmem:s12], [sflag:$0x3], $0x2000, $0x38;
	[tilespmem:$0x6000] =	vst v63  }
0x70: {  	_ =	swait.ge [sflag:s14], $0x2000  }
0x71: {  	[sflag:s14] =	ssyncset.done $0x0  }
0x72: {  	[sflag:s14] =	ssyncadd.s32 $0xFFFFE000  }
0x73: {  	s15 =	sadd.s32 $0x1, s15  }
0x74: {  	p0 =	sne.s32 s15, s7  }
.Ltmp4:
0x75: {  	_ = 	snop;
	(pc) =	sbr.rel @p0 .LBB2_1-.Ltmp4, $1  }
0x76: {  	_ =	sdelay $0x3  }
0x77: {  	_ =	sfence.sel $0x180000  }
0x78: {  	[bflag:$0x0] =	sbarrier.arrive $0xFFFF  }
0x79: {  	p0 =	sne.s32 s1, $0x0;
	_ =	strace $0x9000004A  }
0x7a: {  	s0 =	sadd.s32 @!p0 $0x100000, s0;
	[bflag:$0x2] =	sbarrier.arrive $0xFFFF  }
0x7b: {  	[sflag:s0] =	ssyncadd.tile.s32 @!p0 $0x1;
	_ =	shalt  }
.Lfunc_end2:
_tile_overlayer_lowered:
.L_overlay_start_2:
0x7c: {  	(tag) =	ssettag $0x2  }
0x7d: {  	s0 =	rddreg [dreg:$0x0];
	s2 =	stileid.u32  }
0x7e: {  	s1 =	rddreg [dreg:$0x1];
	p0 =	sne.s32 s2, $0x0  }
0x7f: {  	s3 =	rddreg [dreg:$0x2];
	[bflag:$0x3] =	sbarrier.arrive $0xFFFF;
	s2 =	simm.s32 @!p0 $0x1C03  }
0x80: {  	[timem:s3], [sflag:s2] =	dma.local @!p0 [hbm:s0], s1  }
0x81: {  	s0 =	simm.s32 @!p0 $0x3  }
0x82: {  	_ =	swait.ge @!p0 [sflag:s0], s1  }
0x83: {  	s1 =	ssub.s32 @!p0 $0x0, s1;
	[sflag:s0] =	ssyncset.done @!p0 $0x0  }
0x84: {  	[sflag:s0] =	ssyncadd.s32 @!p0 s1  }
0x85: {  	[bflag:$0x3] =	sbarrier.arrive $0xFFFF  }
0x86: {  	_ =	shalt  }

</sc_bundles>
